<compile_context>
chip_gen: v7x
topology: tpu7x:2x2x1
jax: 0.10.2.dev20260603
libtpu: 0.0.44.dev20260713+nightly
codegen_flags: <defaults>
</compile_context>

<pallas_src>
import functools

import jax
import jax.numpy as jnp
from jax import lax
from jax.experimental import pallas as pl
from jax.experimental.pallas import tpu as pltpu
from jax.experimental.pallas import tpu_sc as plsc

_EPS = 1e-07
_N = 1_000_000
_C = 100
_D = 64
_B = 16384

_NW = 32
_W_OWN = _N // _NW
_W_PAD = 31744
_SEG = 7936
_NSEG = _W_PAD // _SEG
_BPW = _B // _NW
_W_CP = 31248
_CSEG = 256
_NCSEG = _W_CP // _CSEG
_CTAIL = _W_CP - _NCSEG * _CSEG
_CREM = _N - _NW * _W_CP


def _bcast16(x):
  lane = lax.iota(jnp.int32, 16)
  return jnp.sum(jnp.where(lane == 0, x, 0)) + jnp.zeros((16,), x.dtype)


def _sc_body(idx_hbm, emb_hbm, u_hbm,
             out_hbm,
             ubatch_hbm,
             idx_v, tag_v, src2d, dst2d, ubuf,
             chsrc, chdst, chbuf, ubuf16,
             sem_g):
  wid = lax.axis_index("s") * 2 + lax.axis_index("c")
  lo = wid * _W_OWN
  lane = lax.iota(jnp.int32, 16)

  pltpu.sync_copy(idx_hbm, idx_v)

  base_b = wid * _BPW
  for k in range(_BPW // 128):
    for sub in range(8):
      v = idx_v[pl.ds(base_b + k * 128 + sub * 16, 16)]
      chsrc[pl.ds(sub * 16, 16)] = lax.shift_right_arithmetic(v, 4)
    pltpu.async_copy(u_hbm.at[chsrc], ubuf16, sem_g).wait()
    for sub in range(8):
      v = idx_v[pl.ds(base_b + k * 128 + sub * 16, 16)]
      col = jnp.bitwise_and(v, 15)
      row_local = lane + sub * 16
      val = plsc.load_gather(ubuf16, [row_local, col])
      plsc.store_scatter(ubuf, [k * 128 + row_local, col * 0], val)
  pltpu.sync_copy(ubuf, ubatch_hbm.at[pl.ds(base_b, _BPW)])

  def _zero(i, _):
    tag_v[pl.ds(i * 16, 16)] = jnp.zeros((16,), jnp.int32)
    return 0
  lax.fori_loop(0, _W_PAD // 16, _zero, 0)

  lane_bit = lax.shift_left(jnp.ones((16,), jnp.int32), lane)
  def _scan(i, _):
    v = idx_v[pl.ds(i * 16, 16)]
    m = jnp.logical_and(v >= lo, v < lo + _W_OWN)
    off = jnp.where(m, v - lo, 0)
    claim = (i + 1) * 65536 + jnp.zeros((16,), jnp.int32)
    plsc.store_scatter(tag_v, [off], claim, mask=m)
    plsc.addupdate_scatter(tag_v, [off], lane_bit, mask=m)
    return 0
  lax.fori_loop(0, _B // 16, _scan, 0)

  def _seg(s, _):
    seg_base = s * _SEG

    def _compact(t, c):
      off = seg_base + t * 16
      tg = tag_v[pl.ds(off, 16)]
      hm = tg > 0
      hmi = hm.astype(jnp.int32)
      pos = c + plsc.cumsum(hmi) - 1
      posm = jnp.where(hm, pos, 0)
      pr = lax.shift_right_arithmetic(posm, 7)
      pc = jnp.bitwise_and(posm, 127)
      rowv = lo + off + lane
      bits = jnp.bitwise_and(tg, 65535)
      fb = bits.astype(jnp.float32)
      hb = lax.shift_right_arithmetic(
          plsc.bitcast(fb, jnp.int32), 23) - 127
      srcj = (lax.shift_right_arithmetic(tg, 16) - 1) * 16 + hb
      srcj = jnp.clip(srcj, 0, _B - 1)
      plsc.store_scatter(dst2d, [pr, pc], rowv, mask=hm)
      plsc.store_scatter(src2d, [pr, pc], srcj, mask=hm)
      return c + jnp.sum(hmi)
    c = lax.fori_loop(0, _SEG // 16, _compact, 0)

    nch = lax.shift_right_arithmetic(c + 127, 7)

    def _chunk_body(k):
      rem = jnp.minimum(c - k * 128, 128)
      e0s = _bcast16(src2d[k, pl.ds(0, 16)])
      e0d = _bcast16(dst2d[k, pl.ds(0, 16)])
      for sub in range(8):
        p16 = lane + sub * 16
        valid = p16 < rem
        cs = src2d[k, pl.ds(sub * 16, 16)]
        cd = dst2d[k, pl.ds(sub * 16, 16)]
        chsrc[pl.ds(sub * 16, 16)] = jnp.where(valid, cs, e0s)
        chdst[pl.ds(sub * 16, 16)] = jnp.where(valid, cd, e0d)
      pltpu.async_copy(emb_hbm.at[chsrc], chbuf, sem_g).wait()
      pltpu.async_copy(chbuf, out_hbm.at[chdst], sem_g).wait()

    def _chunk(k, _):
      @pl.when(k < nch)
      def _():
        _chunk_body(k)
      return 0
    lax.fori_loop(0, _SEG // 128, _chunk, 0)
    return 0
  lax.fori_loop(0, _NSEG, _seg, 0)


def _sc_scatter_gather(idx, emb, u, prev):
  mesh = plsc.VectorSubcoreMesh(core_axis_name="c", subcore_axis_name="s")
  f = functools.partial(
      pl.kernel,
      out_type=[
          jax.ShapeDtypeStruct((_B, 1), jnp.float32),
      ],
      mesh=mesh,
      compiler_params=pltpu.CompilerParams(
          needs_layout_passes=False, use_tc_tiling_on_sc=False),
      scratch_types=[
          pltpu.VMEM((_B,), jnp.int32),
          pltpu.VMEM((_W_PAD,), jnp.int32),
          pltpu.VMEM((_SEG // 128, 128), jnp.int32),
          pltpu.VMEM((_SEG // 128, 128), jnp.int32),
          pltpu.VMEM((_BPW, 1), jnp.float32),
          pltpu.VMEM((128,), jnp.int32),
          pltpu.VMEM((128,), jnp.int32),
          pltpu.VMEM((128, _D), jnp.float32),
          pltpu.VMEM((128, 16), jnp.float32),
          pltpu.SemaphoreType.DMA,
      ],
  )(_sc_body)
  buf_ref = jax.new_ref(prev)
  (ubatch,) = f(idx, emb, u, buf_ref)
  return buf_ref[...], ubatch


def _loss_body(acc_ref, logits_ref, labels_ref, emb_ref, u_ref,
               cent_ref, o1_ref, o2_ref, o3_ref):
  pid = pl.program_id(0)
  ac = acc_ref[0, 0]

  lg = logits_ref[...]
  lb = labels_ref[...]
  em = emb_ref[...]
  uu = u_ref[...]
  cen = cent_ref[...]

  cn = cen / (jnp.sqrt(jnp.sum(cen * cen, axis=1, keepdims=True)) + _EPS)
  en = em / (jnp.sqrt(jnp.sum(em * em, axis=1, keepdims=True)) + _EPS)
  s = lax.dot_general(en, cn, (((1,), (1,)), ((), ())),
                      preferred_element_type=jnp.float32)
  sm = jnp.max(s, axis=1, keepdims=True)
  se = jnp.exp(s - sm)
  soft = se / jnp.sum(se, axis=1, keepdims=True)

  ml = lg + ac * uu * lb
  mm = jnp.max(ml, axis=1, keepdims=True)
  lse = jnp.log(jnp.sum(jnp.exp(ml - mm), axis=1, keepdims=True))
  log_probs = ml - mm - lse
  l1p = -jnp.sum(soft * log_probs)

  mx = jnp.max(lg, axis=1, keepdims=True)
  pred = (lg == mx).astype(jnp.float32)
  term = pred + uu * lb - lb
  l2p = jnp.sum(term * term)

  m2 = jnp.max(lg, axis=1, keepdims=True)
  e2 = jnp.exp(lg - m2)
  p_true = jnp.sum(e2 * lb, axis=1, keepdims=True) / jnp.sum(
      e2, axis=1, keepdims=True)
  p_true = jnp.clip(p_true, _EPS, 1.0 - _EPS)
  u_c = jnp.clip(uu, _EPS, 1.0 - _EPS)
  u_t = jnp.clip(1.0 / (1.0 + u_c), _EPS, 1.0 - _EPS)
  t1 = p_true * (jnp.log(p_true) - jnp.log(u_t))
  t2 = (1.0 - p_true) * (jnp.log(1.0 - p_true) - jnp.log(1.0 - u_t))
  l3p = jnp.sum(t1 + t2) * (1.0 - ac)

  @pl.when(pid == 0)
  def _():
    o1_ref[0, 0] = 0.0
    o2_ref[0, 0] = 0.0
    o3_ref[0, 0] = 0.0
  o1_ref[0, 0] += l1p
  o2_ref[0, 0] += l2p
  o3_ref[0, 0] += l3p


def _loss_pallas(acc11, logits, labels, emb, u_batch, cents):
  bs = 2048
  grid = (_B // bs,)
  return pl.pallas_call(
      _loss_body,
      grid=grid,
      in_specs=[
          pl.BlockSpec(memory_space=pltpu.SMEM),
          pl.BlockSpec((bs, _C), lambda i: (i, 0)),
          pl.BlockSpec((bs, _C), lambda i: (i, 0)),
          pl.BlockSpec((bs, _D), lambda i: (i, 0)),
          pl.BlockSpec((bs, 1), lambda i: (i, 0)),
          pl.BlockSpec((_C, _D), lambda i: (0, 0)),
      ],
      out_specs=[
          pl.BlockSpec(memory_space=pltpu.SMEM),
          pl.BlockSpec(memory_space=pltpu.SMEM),
          pl.BlockSpec(memory_space=pltpu.SMEM),
      ],
      out_shape=[
          jax.ShapeDtypeStruct((1, 1), jnp.float32),
          jax.ShapeDtypeStruct((1, 1), jnp.float32),
          jax.ShapeDtypeStruct((1, 1), jnp.float32),
      ],
  )(acc11, logits, labels, emb, u_batch, cents)


def kernel(batch_original_indices, gnn_logits_batch, true_labels_batch_one_hot,
           gnn_embeddings_batch, atrain_overall_accuracy, u,
           prev_gnn_embeddings, class_centroids):
  idx = batch_original_indices.astype(jnp.int32)
  new_prev, u_batch = _sc_scatter_gather(
      idx, gnn_embeddings_batch, u.reshape(_N // 16, 16), prev_gnn_embeddings)
  acc11 = atrain_overall_accuracy.reshape(1, 1)
  l1s, l2s, l3s = _loss_pallas(
      acc11, gnn_logits_batch, true_labels_batch_one_hot,
      gnn_embeddings_batch, u_batch, class_centroids)
  total = (l1s[0, 0] / _B + l2s[0, 0] / (_B * _C)
           + 0.5 * l3s[0, 0] / _B).reshape(1)
  return total, new_prev

# --- scband reference (transcript-rebuilt; emitter-appended) ---
"""Pipeline reference for scband-gcod-loss-64321430225265 (READ-ONLY COPY).

The authoritative reference and input builder live on the scoring server;
editing this copy changes nothing except your own understanding.
"""

import jax, jax.numpy as jnp
import numpy as np

eps = 1e-07
NUM_EXAMP = 1000000
NUM_CLASSES = 100
EMB = 64
B = 16384


def setup_inputs(seed: int = 0) -> dict:
    key = jax.random.key(seed)
    ks = jax.random.split(key, 8)
    batch_original_indices = jax.random.randint(ks[0], (B,), 0, NUM_EXAMP)
    gnn_logits_batch = jax.random.normal(ks[1], (B, NUM_CLASSES), dtype=jnp.float32)
    true_labels_batch_one_hot = jax.random.uniform(ks[2], (B, NUM_CLASSES), dtype=jnp.float32)
    gnn_embeddings_batch = jax.random.normal(ks[3], (B, EMB), dtype=jnp.float32)
    atrain_overall_accuracy = jax.random.uniform(ks[4], (1,), dtype=jnp.float32)
    u = jnp.clip(jax.random.normal(ks[5], (NUM_EXAMP, 1), dtype=jnp.float32) * 0.001, eps, 1.0 - eps)
    prev_gnn_embeddings = jax.random.uniform(ks[6], (NUM_EXAMP, EMB), dtype=jnp.float32) * 0.01
    class_centroids = jax.random.uniform(ks[7], (NUM_CLASSES, EMB), dtype=jnp.float32) * 0.01
    return {
        'batch_original_indices': batch_original_indices,
        'gnn_logits_batch': gnn_logits_batch,
        'true_labels_batch_one_hot': true_labels_batch_one_hot,
        'gnn_embeddings_batch': gnn_embeddings_batch,
        'atrain_overall_accuracy': atrain_overall_accuracy,
        'u': u,
        'prev_gnn_embeddings': prev_gnn_embeddings,
        'class_centroids': class_centroids,
    }


def reference(batch_original_indices, gnn_logits_batch, true_labels_batch_one_hot,
              gnn_embeddings_batch, atrain_overall_accuracy, u,
              prev_gnn_embeddings, class_centroids):
    sg = jax.lax.stop_gradient
    idx = batch_original_indices
    # scatter-overwrite of memory buffer (detached in torch)
    new_prev = prev_gnn_embeddings.at[idx].set(sg(gnn_embeddings_batch))
    # gather u rows for batch
    u_batch = u[idx]  # [B, 1]
    # soft labels (no_grad in torch)
    e = sg(gnn_embeddings_batch)
    en = e / (jnp.linalg.norm(e, axis=1, keepdims=True) + eps)
    c = sg(class_centroids)
    cn = c / (jnp.linalg.norm(c, axis=1, keepdims=True) + eps)
    soft_labels = jax.nn.softmax(en @ cn.T, axis=1)
    # L1
    logit_mod = atrain_overall_accuracy * u_batch * true_labels_batch_one_hot
    modified_logits = gnn_logits_batch + logit_mod
    log_probs = jax.nn.log_softmax(modified_logits, axis=1)
    l1 = jnp.mean(-jnp.sum(soft_labels * log_probs, axis=1))
    # L2
    pred_oh = sg(jax.nn.one_hot(jnp.argmax(gnn_logits_batch, axis=1), NUM_CLASSES, dtype=jnp.float32))
    term = pred_oh + u_batch * true_labels_batch_one_hot - true_labels_batch_one_hot
    l2 = jnp.mean(jnp.sum(term ** 2, axis=1)) / NUM_CLASSES
    # L3
    p_true = sg(jnp.sum(jax.nn.softmax(gnn_logits_batch, axis=1) * true_labels_batch_one_hot, axis=1))
    p_true = jnp.clip(p_true, eps, 1.0 - eps)
    u_c = jnp.clip(jnp.squeeze(u_batch, axis=1), eps, 1.0 - eps)
    u_t = jnp.clip(jax.nn.sigmoid(-jnp.log(u_c)), eps, 1.0 - eps)
    t1 = p_true * (jnp.log(p_true) - jnp.log(u_t))
    t2 = (1.0 - p_true) * (jnp.log(1.0 - p_true) - jnp.log(1.0 - u_t))
    dkl = jnp.nan_to_num(t1 + t2, nan=0.0, posinf=0.0, neginf=0.0)
    l3 = jnp.mean(dkl) * (1.0 - atrain_overall_accuracy)
    total_loss = l1 + l2 + 0.5 * l3
    return total_loss, new_prev

if __name__ == "__main__":
    import jax
    _d = setup_inputs()
    print(jax.jit(kernel)(*tuple(_d.values())))

</pallas_src>

<mosaic_0001>
#map = affine_map<(d0, d1) -> (0)>
#map1 = affine_map<(d0, d1) -> (0, 0)>
module attributes {stable_mosaic.version = 14 : i64} {
  func.func @new_body(%arg0: i32, %arg1: i32, %arg2: memref<16384xi32, #tpu.memory_space<hbm>>, %arg3: memref<16384x64xf32, #tpu.memory_space<hbm>>, %arg4: memref<62500x16xf32, #tpu.memory_space<hbm>>, %arg5: memref<1000000x64xf32, #tpu.memory_space<hbm>>, %arg6: memref<16384x1xf32, #tpu.memory_space<hbm>>, %arg7: memref<1000000x64xf32, #tpu.memory_space<hbm>>, %arg8: memref<16384xi32, #tpu.memory_space<vmem>>, %arg9: memref<31744xi32, #tpu.memory_space<vmem>>, %arg10: memref<62x128xi32, #tpu.memory_space<vmem>>, %arg11: memref<62x128xi32, #tpu.memory_space<vmem>>, %arg12: memref<512x1xf32, #tpu.memory_space<vmem>>, %arg13: memref<128xi32, #tpu.memory_space<vmem>>, %arg14: memref<128xi32, #tpu.memory_space<vmem>>, %arg15: memref<128x64xf32, #tpu.memory_space<vmem>>, %arg16: memref<128x16xf32, #tpu.memory_space<vmem>>, %arg17: memref<!tpu.dma_semaphore, #tpu.memory_space<semaphore_mem>>) attributes {dimension_semantics = [#tpu.dimension_semantics<core_parallel>, #tpu.dimension_semantics<subcore_parallel>], iteration_bounds = array<i64: 2, 16>, scalar_prefetch = 0 : i64, scratch_operands = 10 : i64, tpu.core_type = #tpu.core_type<sc_vector_subcore>, window_params = [{transform_indices = #map}, {transform_indices = #map1}, {transform_indices = #map1}, {transform_indices = #map1}, {transform_indices = #map1}, {transform_indices = #map1}]} {
    %mul3A = arith.constant 2 : i32
    %mul3A_0 = arith.muli %arg1, %mul3A : i32
    %add3A = arith.addi %mul3A_0, %arg0 : i32
    %mul3A_1 = arith.constant 31250 : i32
    %mul3A_2 = arith.muli %add3A, %mul3A_1 : i32
    %iota3A = tpu.iota {dimensions = array<i32: 0>} : vector<16xi32>
    "tpu.region"() ({
      %run_scoped3A = tpu.sem_alloc : memref<!tpu.dma_semaphore, #tpu.memory_space<semaphore_mem>>
      tpu.enqueue_dma source(%arg2 : memref<16384xi32, #tpu.memory_space<hbm>>) target(%arg8 : memref<16384xi32, #tpu.memory_space<vmem>>) target_semaphore(%run_scoped3A : memref<!tpu.dma_semaphore, #tpu.memory_space<semaphore_mem>>)
      tpu.wait_dma2 semaphore(%run_scoped3A : memref<!tpu.dma_semaphore, #tpu.memory_space<semaphore_mem>>) src(%arg2 : memref<16384xi32, #tpu.memory_space<hbm>>) dst(%arg8 : memref<16384xi32, #tpu.memory_space<vmem>>)
      tpu.yield
    }) : () -> ()
    %mul3A_3 = arith.constant 512 : i32
    %mul3A_4 = arith.muli %add3A, %mul3A_3 : i32
    %add3A_5 = arith.constant 0 : i32
    %add3A_6 = arith.addi %mul3A_4, %add3A_5 : i32
    %add3A_7 = arith.constant 0 : i32
    %add3A_8 = arith.addi %add3A_6, %add3A_7 : i32
    %get3A = arith.index_cast %add3A_8 : i32 to index
    %get3A_9 = tpu.vector_load %arg8[%get3A] {strides = array<i32>} : memref<16384xi32, #tpu.memory_space<vmem>>, vector<16xi32>,
    %shift_right_arithmetic3A = arith.constant 4 : i32
    %shift_right_arithmetic3A_10 = vector.broadcast %shift_right_arithmetic3A : i32 to vector<16xi32>
    %shift_right_arithmetic3A_11 = arith.shrsi %get3A_9, %shift_right_arithmetic3A_10 : vector<16xi32>
    %swap3A = arith.constant 0 : index
    %swap3A_12 = tpu.vector_load %arg13[%swap3A] {strides = array<i32>} : memref<128xi32, #tpu.memory_space<vmem>>, vector<16xi32>,
    tpu.vector_store %arg13[%swap3A], %shift_right_arithmetic3A_11 {strides = array<i32>} : memref<128xi32, #tpu.memory_space<vmem>>, vector<16xi32>,
    %add3A_13 = arith.constant 0 : i32
    %add3A_14 = arith.addi %mul3A_4, %add3A_13 : i32
    %add3A_15 = arith.constant 16 : i32
    %add3A_16 = arith.addi %add3A_14, %add3A_15 : i32
    %get3A_17 = arith.index_cast %add3A_16 : i32 to index
    %get3A_18 = tpu.vector_load %arg8[%get3A_17] {strides = array<i32>} : memref<16384xi32, #tpu.memory_space<vmem>>, vector<16xi32>,
    %shift_right_arithmetic3A_19 = arith.constant 4 : i32
    %shift_right_arithmetic3A_20 = vector.broadcast %shift_right_arithmetic3A_19 : i32 to vector<16xi32>
    %shift_right_arithmetic3A_21 = arith.shrsi %get3A_18, %shift_right_arithmetic3A_20 : vector<16xi32>
    %swap3A_22 = arith.constant 16 : index
    %swap3A_23 = tpu.vector_load %arg13[%swap3A_22] {strides = array<i32>} : memref<128xi32, #tpu.memory_space<vmem>>, vector<16xi32>,
    tpu.vector_store %arg13[%swap3A_22], %shift_right_arithmetic3A_21 {strides = array<i32>} : memref<128xi32, #tpu.memory_space<vmem>>, vector<16xi32>,
    %add3A_24 = arith.constant 0 : i32
    %add3A_25 = arith.addi %mul3A_4, %add3A_24 : i32
    %add3A_26 = arith.constant 32 : i32
    %add3A_27 = arith.addi %add3A_25, %add3A_26 : i32
    %get3A_28 = arith.index_cast %add3A_27 : i32 to index
    %get3A_29 = tpu.vector_load %arg8[%get3A_28] {strides = array<i32>} : memref<16384xi32, #tpu.memory_space<vmem>>, vector<16xi32>,
    %shift_right_arithmetic3A_30 = arith.constant 4 : i32
    %shift_right_arithmetic3A_31 = vector.broadcast %shift_right_arithmetic3A_30 : i32 to vector<16xi32>
    %shift_right_arithmetic3A_32 = arith.shrsi %get3A_29, %shift_right_arithmetic3A_31 : vector<16xi32>
    %swap3A_33 = arith.constant 32 : index
    %swap3A_34 = tpu.vector_load %arg13[%swap3A_33] {strides = array<i32>} : memref<128xi32, #tpu.memory_space<vmem>>, vector<16xi32>,
    tpu.vector_store %arg13[%swap3A_33], %shift_right_arithmetic3A_32 {strides = array<i32>} : memref<128xi32, #tpu.memory_space<vmem>>, vector<16xi32>,
    %add3A_35 = arith.constant 0 : i32
    %add3A_36 = arith.addi %mul3A_4, %add3A_35 : i32
    %add3A_37 = arith.constant 48 : i32
    %add3A_38 = arith.addi %add3A_36, %add3A_37 : i32
    %get3A_39 = arith.index_cast %add3A_38 : i32 to index
    %get3A_40 = tpu.vector_load %arg8[%get3A_39] {strides = array<i32>} : memref<16384xi32, #tpu.memory_space<vmem>>, vector<16xi32>,
    %shift_right_arithmetic3A_41 = arith.constant 4 : i32
    %shift_right_arithmetic3A_42 = vector.broadcast %shift_right_arithmetic3A_41 : i32 to vector<16xi32>
    %shift_right_arithmetic3A_43 = arith.shrsi %get3A_40, %shift_right_arithmetic3A_42 : vector<16xi32>
    %swap3A_44 = arith.constant 48 : index
    %swap3A_45 = tpu.vector_load %arg13[%swap3A_44] {strides = array<i32>} : memref<128xi32, #tpu.memory_space<vmem>>, vector<16xi32>,
    tpu.vector_store %arg13[%swap3A_44], %shift_right_arithmetic3A_43 {strides = array<i32>} : memref<128xi32, #tpu.memory_space<vmem>>, vector<16xi32>,
    %add3A_46 = arith.constant 0 : i32
    %add3A_47 = arith.addi %mul3A_4, %add3A_46 : i32
    %add3A_48 = arith.constant 64 : i32
    %add3A_49 = arith.addi %add3A_47, %add3A_48 : i32
    %get3A_50 = arith.index_cast %add3A_49 : i32 to index
    %get3A_51 = tpu.vector_load %arg8[%get3A_50] {strides = array<i32>} : memref<16384xi32, #tpu.memory_space<vmem>>, vector<16xi32>,
    %shift_right_arithmetic3A_52 = arith.constant 4 : i32
    %shift_right_arithmetic3A_53 = vector.broadcast %shift_right_arithmetic3A_52 : i32 to vector<16xi32>
    %shift_right_arithmetic3A_54 = arith.shrsi %get3A_51, %shift_right_arithmetic3A_53 : vector<16xi32>
    %swap3A_55 = arith.constant 64 : index
    %swap3A_56 = tpu.vector_load %arg13[%swap3A_55] {strides = array<i32>} : memref<128xi32, #tpu.memory_space<vmem>>, vector<16xi32>,
    tpu.vector_store %arg13[%swap3A_55], %shift_right_arithmetic3A_54 {strides = array<i32>} : memref<128xi32, #tpu.memory_space<vmem>>, vector<16xi32>,
    %add3A_57 = arith.constant 0 : i32
    %add3A_58 = arith.addi %mul3A_4, %add3A_57 : i32
    %add3A_59 = arith.constant 80 : i32
    %add3A_60 = arith.addi %add3A_58, %add3A_59 : i32
    %get3A_61 = arith.index_cast %add3A_60 : i32 to index
    %get3A_62 = tpu.vector_load %arg8[%get3A_61] {strides = array<i32>} : memref<16384xi32, #tpu.memory_space<vmem>>, vector<16xi32>,
    %shift_right_arithmetic3A_63 = arith.constant 4 : i32
    %shift_right_arithmetic3A_64 = vector.broadcast %shift_right_arithmetic3A_63 : i32 to vector<16xi32>
    %shift_right_arithmetic3A_65 = arith.shrsi %get3A_62, %shift_right_arithmetic3A_64 : vector<16xi32>
    %swap3A_66 = arith.constant 80 : index
    %swap3A_67 = tpu.vector_load %arg13[%swap3A_66] {strides = array<i32>} : memref<128xi32, #tpu.memory_space<vmem>>, vector<16xi32>,
    tpu.vector_store %arg13[%swap3A_66], %shift_right_arithmetic3A_65 {strides = array<i32>} : memref<128xi32, #tpu.memory_space<vmem>>, vector<16xi32>,
    %add3A_68 = arith.constant 0 : i32
    %add3A_69 = arith.addi %mul3A_4, %add3A_68 : i32
    %add3A_70 = arith.constant 96 : i32
    %add3A_71 = arith.addi %add3A_69, %add3A_70 : i32
    %get3A_72 = arith.index_cast %add3A_71 : i32 to index
    %get3A_73 = tpu.vector_load %arg8[%get3A_72] {strides = array<i32>} : memref<16384xi32, #tpu.memory_space<vmem>>, vector<16xi32>,
    %shift_right_arithmetic3A_74 = arith.constant 4 : i32
    %shift_right_arithmetic3A_75 = vector.broadcast %shift_right_arithmetic3A_74 : i32 to vector<16xi32>
    %shift_right_arithmetic3A_76 = arith.shrsi %get3A_73, %shift_right_arithmetic3A_75 : vector<16xi32>
    %swap3A_77 = arith.constant 96 : index
    %swap3A_78 = tpu.vector_load %arg13[%swap3A_77] {strides = array<i32>} : memref<128xi32, #tpu.memory_space<vmem>>, vector<16xi32>,
    tpu.vector_store %arg13[%swap3A_77], %shift_right_arithmetic3A_76 {strides = array<i32>} : memref<128xi32, #tpu.memory_space<vmem>>, vector<16xi32>,
    %add3A_79 = arith.constant 0 : i32
    %add3A_80 = arith.addi %mul3A_4, %add3A_79 : i32
    %add3A_81 = arith.constant 112 : i32
    %add3A_82 = arith.addi %add3A_80, %add3A_81 : i32
    %get3A_83 = arith.index_cast %add3A_82 : i32 to index
    %get3A_84 = tpu.vector_load %arg8[%get3A_83] {strides = array<i32>} : memref<16384xi32, #tpu.memory_space<vmem>>, vector<16xi32>,
    %shift_right_arithmetic3A_85 = arith.constant 4 : i32
    %shift_right_arithmetic3A_86 = vector.broadcast %shift_right_arithmetic3A_85 : i32 to vector<16xi32>
    %shift_right_arithmetic3A_87 = arith.shrsi %get3A_84, %shift_right_arithmetic3A_86 : vector<16xi32>
    %swap3A_88 = arith.constant 112 : index
    %swap3A_89 = tpu.vector_load %arg13[%swap3A_88] {strides = array<i32>} : memref<128xi32, #tpu.memory_space<vmem>>, vector<16xi32>,
    tpu.vector_store %arg13[%swap3A_88], %shift_right_arithmetic3A_87 {strides = array<i32>} : memref<128xi32, #tpu.memory_space<vmem>>, vector<16xi32>,
    %dma_start3A = arith.constant 0 : i32
    %dma_start3A_90 = arith.constant 0 : i32
    %dma_start3A_91 = tpu.memref_slice %arg4[%dma_start3A, %dma_start3A_90] : memref<62500x16xf32, #tpu.memory_space<hbm>> -> memref<62500x16xf32, #tpu.memory_space<hbm>>
    tpu.enqueue_indirect_dma source(%dma_start3A_91 : memref<62500x16xf32, #tpu.memory_space<hbm>>) target(%arg16 : memref<128x16xf32, #tpu.memory_space<vmem>>) offsets(%arg13 : memref<128xi32, #tpu.memory_space<vmem>>) semaphore(%arg17 : memref<!tpu.dma_semaphore, #tpu.memory_space<semaphore_mem>>)
    %dma_wait3A = arith.constant 0 : i32
    %dma_wait3A_92 = arith.constant 0 : i32
    %dma_wait3A_93 = tpu.memref_slice %arg4[%dma_wait3A, %dma_wait3A_92] : memref<62500x16xf32, #tpu.memory_space<hbm>> -> memref<62500x16xf32, #tpu.memory_space<hbm>>
    tpu.wait_indirect_dma semaphore(%arg17 : memref<!tpu.dma_semaphore, #tpu.memory_space<semaphore_mem>>) src(%dma_wait3A_93 : memref<62500x16xf32, #tpu.memory_space<hbm>>) dst(%arg16 : memref<128x16xf32, #tpu.memory_space<vmem>>)
    %add3A_94 = arith.constant 0 : i32
    %add3A_95 = arith.addi %mul3A_4, %add3A_94 : i32
    %add3A_96 = arith.constant 0 : i32
    %add3A_97 = arith.addi %add3A_95, %add3A_96 : i32
    %get3A_98 = arith.index_cast %add3A_97 : i32 to index
    %get3A_99 = tpu.vector_load %arg8[%get3A_98] {strides = array<i32>} : memref<16384xi32, #tpu.memory_space<vmem>>, vector<16xi32>,
    %and3A = arith.constant 15 : i32
    %and3A_100 = vector.broadcast %and3A : i32 to vector<16xi32>
    %and3A_101 = arith.andi %get3A_99, %and3A_100 : vector<16xi32>
    %add3A_102 = arith.constant 0 : i32
    %add3A_103 = vector.broadcast %add3A_102 : i32 to vector<16xi32>
    %add3A_104 = arith.addi %iota3A, %add3A_103 : vector<16xi32>
    %gather3A = tpu.vector_load_idx %arg16[%add3A_104, %and3A_101] : memref<128x16xf32, #tpu.memory_space<vmem>>[vector<16xi32>, vector<16xi32>], vector<16xf32>,
    %add3A_105 = arith.constant 0 : i32
    %add3A_106 = vector.broadcast %add3A_105 : i32 to vector<16xi32>
    %add3A_107 = arith.addi %add3A_106, %add3A_104 : vector<16xi32>
    %mul3A_108 = arith.constant 0 : i32
    %mul3A_109 = vector.broadcast %mul3A_108 : i32 to vector<16xi32>
    %mul3A_110 = arith.muli %and3A_101, %mul3A_109 : vector<16xi32>
    tpu.vector_store_idx %arg12[%add3A_107, %mul3A_110], %gather3A : memref<512x1xf32, #tpu.memory_space<vmem>>[vector<16xi32>, vector<16xi32>], vector<16xf32>,
    %add3A_111 = arith.constant 0 : i32
    %add3A_112 = arith.addi %mul3A_4, %add3A_111 : i32
    %add3A_113 = arith.constant 16 : i32
    %add3A_114 = arith.addi %add3A_112, %add3A_113 : i32
    %get3A_115 = arith.index_cast %add3A_114 : i32 to index
    %get3A_116 = tpu.vector_load %arg8[%get3A_115] {strides = array<i32>} : memref<16384xi32, #tpu.memory_space<vmem>>, vector<16xi32>,
    %and3A_117 = arith.constant 15 : i32
    %and3A_118 = vector.broadcast %and3A_117 : i32 to vector<16xi32>
    %and3A_119 = arith.andi %get3A_116, %and3A_118 : vector<16xi32>
    %add3A_120 = arith.constant 16 : i32
    %add3A_121 = vector.broadcast %add3A_120 : i32 to vector<16xi32>
    %add3A_122 = arith.addi %iota3A, %add3A_121 : vector<16xi32>
    %gather3A_123 = tpu.vector_load_idx %arg16[%add3A_122, %and3A_119] : memref<128x16xf32, #tpu.memory_space<vmem>>[vector<16xi32>, vector<16xi32>], vector<16xf32>,
    %add3A_124 = arith.constant 0 : i32
    %add3A_125 = vector.broadcast %add3A_124 : i32 to vector<16xi32>
    %add3A_126 = arith.addi %add3A_125, %add3A_122 : vector<16xi32>
    %mul3A_127 = arith.constant 0 : i32
    %mul3A_128 = vector.broadcast %mul3A_127 : i32 to vector<16xi32>
    %mul3A_129 = arith.muli %and3A_119, %mul3A_128 : vector<16xi32>
    tpu.vector_store_idx %arg12[%add3A_126, %mul3A_129], %gather3A_123 : memref<512x1xf32, #tpu.memory_space<vmem>>[vector<16xi32>, vector<16xi32>], vector<16xf32>,
    %add3A_130 = arith.constant 0 : i32
    %add3A_131 = arith.addi %mul3A_4, %add3A_130 : i32
    %add3A_132 = arith.constant 32 : i32
    %add3A_133 = arith.addi %add3A_131, %add3A_132 : i32
    %get3A_134 = arith.index_cast %add3A_133 : i32 to index
    %get3A_135 = tpu.vector_load %arg8[%get3A_134] {strides = array<i32>} : memref<16384xi32, #tpu.memory_space<vmem>>, vector<16xi32>,
    %and3A_136 = arith.constant 15 : i32
    %and3A_137 = vector.broadcast %and3A_136 : i32 to vector<16xi32>
    %and3A_138 = arith.andi %get3A_135, %and3A_137 : vector<16xi32>
    %add3A_139 = arith.constant 32 : i32
    %add3A_140 = vector.broadcast %add3A_139 : i32 to vector<16xi32>
    %add3A_141 = arith.addi %iota3A, %add3A_140 : vector<16xi32>
    %gather3A_142 = tpu.vector_load_idx %arg16[%add3A_141, %and3A_138] : memref<128x16xf32, #tpu.memory_space<vmem>>[vector<16xi32>, vector<16xi32>], vector<16xf32>,
    %add3A_143 = arith.constant 0 : i32
    %add3A_144 = vector.broadcast %add3A_143 : i32 to vector<16xi32>
    %add3A_145 = arith.addi %add3A_144, %add3A_141 : vector<16xi32>
    %mul3A_146 = arith.constant 0 : i32
    %mul3A_147 = vector.broadcast %mul3A_146 : i32 to vector<16xi32>
    %mul3A_148 = arith.muli %and3A_138, %mul3A_147 : vector<16xi32>
    tpu.vector_store_idx %arg12[%add3A_145, %mul3A_148], %gather3A_142 : memref<512x1xf32, #tpu.memory_space<vmem>>[vector<16xi32>, vector<16xi32>], vector<16xf32>,
    %add3A_149 = arith.constant 0 : i32
    %add3A_150 = arith.addi %mul3A_4, %add3A_149 : i32
    %add3A_151 = arith.constant 48 : i32
    %add3A_152 = arith.addi %add3A_150, %add3A_151 : i32
    %get3A_153 = arith.index_cast %add3A_152 : i32 to index
    %get3A_154 = tpu.vector_load %arg8[%get3A_153] {strides = array<i32>} : memref<16384xi32, #tpu.memory_space<vmem>>, vector<16xi32>,
    %and3A_155 = arith.constant 15 : i32
    %and3A_156 = vector.broadcast %and3A_155 : i32 to vector<16xi32>
    %and3A_157 = arith.andi %get3A_154, %and3A_156 : vector<16xi32>
    %add3A_158 = arith.constant 48 : i32
    %add3A_159 = vector.broadcast %add3A_158 : i32 to vector<16xi32>
    %add3A_160 = arith.addi %iota3A, %add3A_159 : vector<16xi32>
    %gather3A_161 = tpu.vector_load_idx %arg16[%add3A_160, %and3A_157] : memref<128x16xf32, #tpu.memory_space<vmem>>[vector<16xi32>, vector<16xi32>], vector<16xf32>,
    %add3A_162 = arith.constant 0 : i32
    %add3A_163 = vector.broadcast %add3A_162 : i32 to vector<16xi32>
    %add3A_164 = arith.addi %add3A_163, %add3A_160 : vector<16xi32>
    %mul3A_165 = arith.constant 0 : i32
    %mul3A_166 = vector.broadcast %mul3A_165 : i32 to vector<16xi32>
    %mul3A_167 = arith.muli %and3A_157, %mul3A_166 : vector<16xi32>
    tpu.vector_store_idx %arg12[%add3A_164, %mul3A_167], %gather3A_161 : memref<512x1xf32, #tpu.memory_space<vmem>>[vector<16xi32>, vector<16xi32>], vector<16xf32>,
    %add3A_168 = arith.constant 0 : i32
    %add3A_169 = arith.addi %mul3A_4, %add3A_168 : i32
    %add3A_170 = arith.constant 64 : i32
    %add3A_171 = arith.addi %add3A_169, %add3A_170 : i32
    %get3A_172 = arith.index_cast %add3A_171 : i32 to index
    %get3A_173 = tpu.vector_load %arg8[%get3A_172] {strides = array<i32>} : memref<16384xi32, #tpu.memory_space<vmem>>, vector<16xi32>,
    %and3A_174 = arith.constant 15 : i32
    %and3A_175 = vector.broadcast %and3A_174 : i32 to vector<16xi32>
    %and3A_176 = arith.andi %get3A_173, %and3A_175 : vector<16xi32>
    %add3A_177 = arith.constant 64 : i32
    %add3A_178 = vector.broadcast %add3A_177 : i32 to vector<16xi32>
    %add3A_179 = arith.addi %iota3A, %add3A_178 : vector<16xi32>
    %gather3A_180 = tpu.vector_load_idx %arg16[%add3A_179, %and3A_176] : memref<128x16xf32, #tpu.memory_space<vmem>>[vector<16xi32>, vector<16xi32>], vector<16xf32>,
    %add3A_181 = arith.constant 0 : i32
    %add3A_182 = vector.broadcast %add3A_181 : i32 to vector<16xi32>
    %add3A_183 = arith.addi %add3A_182, %add3A_179 : vector<16xi32>
    %mul3A_184 = arith.constant 0 : i32
    %mul3A_185 = vector.broadcast %mul3A_184 : i32 to vector<16xi32>
    %mul3A_186 = arith.muli %and3A_176, %mul3A_185 : vector<16xi32>
    tpu.vector_store_idx %arg12[%add3A_183, %mul3A_186], %gather3A_180 : memref<512x1xf32, #tpu.memory_space<vmem>>[vector<16xi32>, vector<16xi32>], vector<16xf32>,
    %add3A_187 = arith.constant 0 : i32
    %add3A_188 = arith.addi %mul3A_4, %add3A_187 : i32
    %add3A_189 = arith.constant 80 : i32
    %add3A_190 = arith.addi %add3A_188, %add3A_189 : i32
    %get3A_191 = arith.index_cast %add3A_190 : i32 to index
    %get3A_192 = tpu.vector_load %arg8[%get3A_191] {strides = array<i32>} : memref<16384xi32, #tpu.memory_space<vmem>>, vector<16xi32>,
    %and3A_193 = arith.constant 15 : i32
    %and3A_194 = vector.broadcast %and3A_193 : i32 to vector<16xi32>
    %and3A_195 = arith.andi %get3A_192, %and3A_194 : vector<16xi32>
    %add3A_196 = arith.constant 80 : i32
    %add3A_197 = vector.broadcast %add3A_196 : i32 to vector<16xi32>
    %add3A_198 = arith.addi %iota3A, %add3A_197 : vector<16xi32>
    %gather3A_199 = tpu.vector_load_idx %arg16[%add3A_198, %and3A_195] : memref<128x16xf32, #tpu.memory_space<vmem>>[vector<16xi32>, vector<16xi32>], vector<16xf32>,
    %add3A_200 = arith.constant 0 : i32
    %add3A_201 = vector.broadcast %add3A_200 : i32 to vector<16xi32>
    %add3A_202 = arith.addi %add3A_201, %add3A_198 : vector<16xi32>
    %mul3A_203 = arith.constant 0 : i32
    %mul3A_204 = vector.broadcast %mul3A_203 : i32 to vector<16xi32>
    %mul3A_205 = arith.muli %and3A_195, %mul3A_204 : vector<16xi32>
    tpu.vector_store_idx %arg12[%add3A_202, %mul3A_205], %gather3A_199 : memref<512x1xf32, #tpu.memory_space<vmem>>[vector<16xi32>, vector<16xi32>], vector<16xf32>,
    %add3A_206 = arith.constant 0 : i32
    %add3A_207 = arith.addi %mul3A_4, %add3A_206 : i32
    %add3A_208 = arith.constant 96 : i32
    %add3A_209 = arith.addi %add3A_207, %add3A_208 : i32
    %get3A_210 = arith.index_cast %add3A_209 : i32 to index
    %get3A_211 = tpu.vector_load %arg8[%get3A_210] {strides = array<i32>} : memref<16384xi32, #tpu.memory_space<vmem>>, vector<16xi32>,
    %and3A_212 = arith.constant 15 : i32
    %and3A_213 = vector.broadcast %and3A_212 : i32 to vector<16xi32>
    %and3A_214 = arith.andi %get3A_211, %and3A_213 : vector<16xi32>
    %add3A_215 = arith.constant 96 : i32
    %add3A_216 = vector.broadcast %add3A_215 : i32 to vector<16xi32>
    %add3A_217 = arith.addi %iota3A, %add3A_216 : vector<16xi32>
    %gather3A_218 = tpu.vector_load_idx %arg16[%add3A_217, %and3A_214] : memref<128x16xf32, #tpu.memory_space<vmem>>[vector<16xi32>, vector<16xi32>], vector<16xf32>,
    %add3A_219 = arith.constant 0 : i32
    %add3A_220 = vector.broadcast %add3A_219 : i32 to vector<16xi32>
    %add3A_221 = arith.addi %add3A_220, %add3A_217 : vector<16xi32>
    %mul3A_222 = arith.constant 0 : i32
    %mul3A_223 = vector.broadcast %mul3A_222 : i32 to vector<16xi32>
    %mul3A_224 = arith.muli %and3A_214, %mul3A_223 : vector<16xi32>
    tpu.vector_store_idx %arg12[%add3A_221, %mul3A_224], %gather3A_218 : memref<512x1xf32, #tpu.memory_space<vmem>>[vector<16xi32>, vector<16xi32>], vector<16xf32>,
    %add3A_225 = arith.constant 0 : i32
    %add3A_226 = arith.addi %mul3A_4, %add3A_225 : i32
    %add3A_227 = arith.constant 112 : i32
    %add3A_228 = arith.addi %add3A_226, %add3A_227 : i32
    %get3A_229 = arith.index_cast %add3A_228 : i32 to index
    %get3A_230 = tpu.vector_load %arg8[%get3A_229] {strides = array<i32>} : memref<16384xi32, #tpu.memory_space<vmem>>, vector<16xi32>,
    %and3A_231 = arith.constant 15 : i32
    %and3A_232 = vector.broadcast %and3A_231 : i32 to vector<16xi32>
    %and3A_233 = arith.andi %get3A_230, %and3A_232 : vector<16xi32>
    %add3A_234 = arith.constant 112 : i32
    %add3A_235 = vector.broadcast %add3A_234 : i32 to vector<16xi32>
    %add3A_236 = arith.addi %iota3A, %add3A_235 : vector<16xi32>
    %gather3A_237 = tpu.vector_load_idx %arg16[%add3A_236, %and3A_233] : memref<128x16xf32, #tpu.memory_space<vmem>>[vector<16xi32>, vector<16xi32>], vector<16xf32>,
    %add3A_238 = arith.constant 0 : i32
    %add3A_239 = vector.broadcast %add3A_238 : i32 to vector<16xi32>
    %add3A_240 = arith.addi %add3A_239, %add3A_236 : vector<16xi32>
    %mul3A_241 = arith.constant 0 : i32
    %mul3A_242 = vector.broadcast %mul3A_241 : i32 to vector<16xi32>
    %mul3A_243 = arith.muli %and3A_233, %mul3A_242 : vector<16xi32>
    tpu.vector_store_idx %arg12[%add3A_240, %mul3A_243], %gather3A_237 : memref<512x1xf32, #tpu.memory_space<vmem>>[vector<16xi32>, vector<16xi32>], vector<16xf32>,
    %add3A_244 = arith.constant 128 : i32
    %add3A_245 = arith.addi %mul3A_4, %add3A_244 : i32
    %add3A_246 = arith.constant 0 : i32
    %add3A_247 = arith.addi %add3A_245, %add3A_246 : i32
    %get3A_248 = arith.index_cast %add3A_247 : i32 to index
    %get3A_249 = tpu.vector_load %arg8[%get3A_248] {strides = array<i32>} : memref<16384xi32, #tpu.memory_space<vmem>>, vector<16xi32>,
    %shift_right_arithmetic3A_250 = arith.constant 4 : i32
    %shift_right_arithmetic3A_251 = vector.broadcast %shift_right_arithmetic3A_250 : i32 to vector<16xi32>
    %shift_right_arithmetic3A_252 = arith.shrsi %get3A_249, %shift_right_arithmetic3A_251 : vector<16xi32>
    %swap3A_253 = arith.constant 0 : index
    %swap3A_254 = tpu.vector_load %arg13[%swap3A_253] {strides = array<i32>} : memref<128xi32, #tpu.memory_space<vmem>>, vector<16xi32>,
    tpu.vector_store %arg13[%swap3A_253], %shift_right_arithmetic3A_252 {strides = array<i32>} : memref<128xi32, #tpu.memory_space<vmem>>, vector<16xi32>,
    %add3A_255 = arith.constant 128 : i32
    %add3A_256 = arith.addi %mul3A_4, %add3A_255 : i32
    %add3A_257 = arith.constant 16 : i32
    %add3A_258 = arith.addi %add3A_256, %add3A_257 : i32
    %get3A_259 = arith.index_cast %add3A_258 : i32 to index
    %get3A_260 = tpu.vector_load %arg8[%get3A_259] {strides = array<i32>} : memref<16384xi32, #tpu.memory_space<vmem>>, vector<16xi32>,
    %shift_right_arithmetic3A_261 = arith.constant 4 : i32
    %shift_right_arithmetic3A_262 = vector.broadcast %shift_right_arithmetic3A_261 : i32 to vector<16xi32>
    %shift_right_arithmetic3A_263 = arith.shrsi %get3A_260, %shift_right_arithmetic3A_262 : vector<16xi32>
    %swap3A_264 = arith.constant 16 : index
    %swap3A_265 = tpu.vector_load %arg13[%swap3A_264] {strides = array<i32>} : memref<128xi32, #tpu.memory_space<vmem>>, vector<16xi32>,
    tpu.vector_store %arg13[%swap3A_264], %shift_right_arithmetic3A_263 {strides = array<i32>} : memref<128xi32, #tpu.memory_space<vmem>>, vector<16xi32>,
    %add3A_266 = arith.constant 128 : i32
    %add3A_267 = arith.addi %mul3A_4, %add3A_266 : i32
    %add3A_268 = arith.constant 32 : i32
    %add3A_269 = arith.addi %add3A_267, %add3A_268 : i32
    %get3A_270 = arith.index_cast %add3A_269 : i32 to index
    %get3A_271 = tpu.vector_load %arg8[%get3A_270] {strides = array<i32>} : memref<16384xi32, #tpu.memory_space<vmem>>, vector<16xi32>,
    %shift_right_arithmetic3A_272 = arith.constant 4 : i32
    %shift_right_arithmetic3A_273 = vector.broadcast %shift_right_arithmetic3A_272 : i32 to vector<16xi32>
    %shift_right_arithmetic3A_274 = arith.shrsi %get3A_271, %shift_right_arithmetic3A_273 : vector<16xi32>
    %swap3A_275 = arith.constant 32 : index
    %swap3A_276 = tpu.vector_load %arg13[%swap3A_275] {strides = array<i32>} : memref<128xi32, #tpu.memory_space<vmem>>, vector<16xi32>,
    tpu.vector_store %arg13[%swap3A_275], %shift_right_arithmetic3A_274 {strides = array<i32>} : memref<128xi32, #tpu.memory_space<vmem>>, vector<16xi32>,
    %add3A_277 = arith.constant 128 : i32
    %add3A_278 = arith.addi %mul3A_4, %add3A_277 : i32
    %add3A_279 = arith.constant 48 : i32
    %add3A_280 = arith.addi %add3A_278, %add3A_279 : i32
    %get3A_281 = arith.index_cast %add3A_280 : i32 to index
    %get3A_282 = tpu.vector_load %arg8[%get3A_281] {strides = array<i32>} : memref<16384xi32, #tpu.memory_space<vmem>>, vector<16xi32>,
    %shift_right_arithmetic3A_283 = arith.constant 4 : i32
    %shift_right_arithmetic3A_284 = vector.broadcast %shift_right_arithmetic3A_283 : i32 to vector<16xi32>
    %shift_right_arithmetic3A_285 = arith.shrsi %get3A_282, %shift_right_arithmetic3A_284 : vector<16xi32>
    %swap3A_286 = arith.constant 48 : index
    %swap3A_287 = tpu.vector_load %arg13[%swap3A_286] {strides = array<i32>} : memref<128xi32, #tpu.memory_space<vmem>>, vector<16xi32>,
    tpu.vector_store %arg13[%swap3A_286], %shift_right_arithmetic3A_285 {strides = array<i32>} : memref<128xi32, #tpu.memory_space<vmem>>, vector<16xi32>,
    %add3A_288 = arith.constant 128 : i32
    %add3A_289 = arith.addi %mul3A_4, %add3A_288 : i32
    %add3A_290 = arith.constant 64 : i32
    %add3A_291 = arith.addi %add3A_289, %add3A_290 : i32
    %get3A_292 = arith.index_cast %add3A_291 : i32 to index
    %get3A_293 = tpu.vector_load %arg8[%get3A_292] {strides = array<i32>} : memref<16384xi32, #tpu.memory_space<vmem>>, vector<16xi32>,
    %shift_right_arithmetic3A_294 = arith.constant 4 : i32
    %shift_right_arithmetic3A_295 = vector.broadcast %shift_right_arithmetic3A_294 : i32 to vector<16xi32>
    %shift_right_arithmetic3A_296 = arith.shrsi %get3A_293, %shift_right_arithmetic3A_295 : vector<16xi32>
    %swap3A_297 = arith.constant 64 : index
    %swap3A_298 = tpu.vector_load %arg13[%swap3A_297] {strides = array<i32>} : memref<128xi32, #tpu.memory_space<vmem>>, vector<16xi32>,
    tpu.vector_store %arg13[%swap3A_297], %shift_right_arithmetic3A_296 {strides = array<i32>} : memref<128xi32, #tpu.memory_space<vmem>>, vector<16xi32>,
    %add3A_299 = arith.constant 128 : i32
    %add3A_300 = arith.addi %mul3A_4, %add3A_299 : i32
    %add3A_301 = arith.constant 80 : i32
    %add3A_302 = arith.addi %add3A_300, %add3A_301 : i32
    %get3A_303 = arith.index_cast %add3A_302 : i32 to index
    %get3A_304 = tpu.vector_load %arg8[%get3A_303] {strides = array<i32>} : memref<16384xi32, #tpu.memory_space<vmem>>, vector<16xi32>,
    %shift_right_arithmetic3A_305 = arith.constant 4 : i32
    %shift_right_arithmetic3A_306 = vector.broadcast %shift_right_arithmetic3A_305 : i32 to vector<16xi32>
    %shift_right_arithmetic3A_307 = arith.shrsi %get3A_304, %shift_right_arithmetic3A_306 : vector<16xi32>
    %swap3A_308 = arith.constant 80 : index
    %swap3A_309 = tpu.vector_load %arg13[%swap3A_308] {strides = array<i32>} : memref<128xi32, #tpu.memory_space<vmem>>, vector<16xi32>,
    tpu.vector_store %arg13[%swap3A_308], %shift_right_arithmetic3A_307 {strides = array<i32>} : memref<128xi32, #tpu.memory_space<vmem>>, vector<16xi32>,
    %add3A_310 = arith.constant 128 : i32
    %add3A_311 = arith.addi %mul3A_4, %add3A_310 : i32
    %add3A_312 = arith.constant 96 : i32
    %add3A_313 = arith.addi %add3A_311, %add3A_312 : i32
    %get3A_314 = arith.index_cast %add3A_313 : i32 to index
    %get3A_315 = tpu.vector_load %arg8[%get3A_314] {strides = array<i32>} : memref<16384xi32, #tpu.memory_space<vmem>>, vector<16xi32>,
    %shift_right_arithmetic3A_316 = arith.constant 4 : i32
    %shift_right_arithmetic3A_317 = vector.broadcast %shift_right_arithmetic3A_316 : i32 to vector<16xi32>
    %shift_right_arithmetic3A_318 = arith.shrsi %get3A_315, %shift_right_arithmetic3A_317 : vector<16xi32>
    %swap3A_319 = arith.constant 96 : index
    %swap3A_320 = tpu.vector_load %arg13[%swap3A_319] {strides = array<i32>} : memref<128xi32, #tpu.memory_space<vmem>>, vector<16xi32>,
    tpu.vector_store %arg13[%swap3A_319], %shift_right_arithmetic3A_318 {strides = array<i32>} : memref<128xi32, #tpu.memory_space<vmem>>, vector<16xi32>,
    %add3A_321 = arith.constant 128 : i32
    %add3A_322 = arith.addi %mul3A_4, %add3A_321 : i32
    %add3A_323 = arith.constant 112 : i32
    %add3A_324 = arith.addi %add3A_322, %add3A_323 : i32
    %get3A_325 = arith.index_cast %add3A_324 : i32 to index
    %get3A_326 = tpu.vector_load %arg8[%get3A_325] {strides = array<i32>} : memref<16384xi32, #tpu.memory_space<vmem>>, vector<16xi32>,
    %shift_right_arithmetic3A_327 = arith.constant 4 : i32
    %shift_right_arithmetic3A_328 = vector.broadcast %shift_right_arithmetic3A_327 : i32 to vector<16xi32>
    %shift_right_arithmetic3A_329 = arith.shrsi %get3A_326, %shift_right_arithmetic3A_328 : vector<16xi32>
    %swap3A_330 = arith.constant 112 : index
    %swap3A_331 = tpu.vector_load %arg13[%swap3A_330] {strides = array<i32>} : memref<128xi32, #tpu.memory_space<vmem>>, vector<16xi32>,
    tpu.vector_store %arg13[%swap3A_330], %shift_right_arithmetic3A_329 {strides = array<i32>} : memref<128xi32, #tpu.memory_space<vmem>>, vector<16xi32>,
    %dma_start3A_332 = arith.constant 0 : i32
    %dma_start3A_333 = arith.constant 0 : i32
    %dma_start3A_334 = tpu.memref_slice %arg4[%dma_start3A_332, %dma_start3A_333] : memref<62500x16xf32, #tpu.memory_space<hbm>> -> memref<62500x16xf32, #tpu.memory_space<hbm>>
    tpu.enqueue_indirect_dma source(%dma_start3A_334 : memref<62500x16xf32, #tpu.memory_space<hbm>>) target(%arg16 : memref<128x16xf32, #tpu.memory_space<vmem>>) offsets(%arg13 : memref<128xi32, #tpu.memory_space<vmem>>) semaphore(%arg17 : memref<!tpu.dma_semaphore, #tpu.memory_space<semaphore_mem>>)
    %dma_wait3A_335 = arith.constant 0 : i32
    %dma_wait3A_336 = arith.constant 0 : i32
    %dma_wait3A_337 = tpu.memref_slice %arg4[%dma_wait3A_335, %dma_wait3A_336] : memref<62500x16xf32, #tpu.memory_space<hbm>> -> memref<62500x16xf32, #tpu.memory_space<hbm>>
    tpu.wait_indirect_dma semaphore(%arg17 : memref<!tpu.dma_semaphore, #tpu.memory_space<semaphore_mem>>) src(%dma_wait3A_337 : memref<62500x16xf32, #tpu.memory_space<hbm>>) dst(%arg16 : memref<128x16xf32, #tpu.memory_space<vmem>>)
    %add3A_338 = arith.constant 128 : i32
    %add3A_339 = arith.addi %mul3A_4, %add3A_338 : i32
    %add3A_340 = arith.constant 0 : i32
    %add3A_341 = arith.addi %add3A_339, %add3A_340 : i32
    %get3A_342 = arith.index_cast %add3A_341 : i32 to index
    %get3A_343 = tpu.vector_load %arg8[%get3A_342] {strides = array<i32>} : memref<16384xi32, #tpu.memory_space<vmem>>, vector<16xi32>,
    %and3A_344 = arith.constant 15 : i32
    %and3A_345 = vector.broadcast %and3A_344 : i32 to vector<16xi32>
    %and3A_346 = arith.andi %get3A_343, %and3A_345 : vector<16xi32>
    %add3A_347 = arith.constant 0 : i32
    %add3A_348 = vector.broadcast %add3A_347 : i32 to vector<16xi32>
    %add3A_349 = arith.addi %iota3A, %add3A_348 : vector<16xi32>
    %gather3A_350 = tpu.vector_load_idx %arg16[%add3A_349, %and3A_346] : memref<128x16xf32, #tpu.memory_space<vmem>>[vector<16xi32>, vector<16xi32>], vector<16xf32>,
    %add3A_351 = arith.constant 128 : i32
    %add3A_352 = vector.broadcast %add3A_351 : i32 to vector<16xi32>
    %add3A_353 = arith.addi %add3A_352, %add3A_349 : vector<16xi32>
    %mul3A_354 = arith.constant 0 : i32
    %mul3A_355 = vector.broadcast %mul3A_354 : i32 to vector<16xi32>
    %mul3A_356 = arith.muli %and3A_346, %mul3A_355 : vector<16xi32>
    tpu.vector_store_idx %arg12[%add3A_353, %mul3A_356], %gather3A_350 : memref<512x1xf32, #tpu.memory_space<vmem>>[vector<16xi32>, vector<16xi32>], vector<16xf32>,
    %add3A_357 = arith.constant 128 : i32
    %add3A_358 = arith.addi %mul3A_4, %add3A_357 : i32
    %add3A_359 = arith.constant 16 : i32
    %add3A_360 = arith.addi %add3A_358, %add3A_359 : i32
    %get3A_361 = arith.index_cast %add3A_360 : i32 to index
    %get3A_362 = tpu.vector_load %arg8[%get3A_361] {strides = array<i32>} : memref<16384xi32, #tpu.memory_space<vmem>>, vector<16xi32>,
    %and3A_363 = arith.constant 15 : i32
    %and3A_364 = vector.broadcast %and3A_363 : i32 to vector<16xi32>
    %and3A_365 = arith.andi %get3A_362, %and3A_364 : vector<16xi32>
    %add3A_366 = arith.constant 16 : i32
    %add3A_367 = vector.broadcast %add3A_366 : i32 to vector<16xi32>
    %add3A_368 = arith.addi %iota3A, %add3A_367 : vector<16xi32>
    %gather3A_369 = tpu.vector_load_idx %arg16[%add3A_368, %and3A_365] : memref<128x16xf32, #tpu.memory_space<vmem>>[vector<16xi32>, vector<16xi32>], vector<16xf32>,
    %add3A_370 = arith.constant 128 : i32
    %add3A_371 = vector.broadcast %add3A_370 : i32 to vector<16xi32>
    %add3A_372 = arith.addi %add3A_371, %add3A_368 : vector<16xi32>
    %mul3A_373 = arith.constant 0 : i32
    %mul3A_374 = vector.broadcast %mul3A_373 : i32 to vector<16xi32>
    %mul3A_375 = arith.muli %and3A_365, %mul3A_374 : vector<16xi32>
    tpu.vector_store_idx %arg12[%add3A_372, %mul3A_375], %gather3A_369 : memref<512x1xf32, #tpu.memory_space<vmem>>[vector<16xi32>, vector<16xi32>], vector<16xf32>,
    %add3A_376 = arith.constant 128 : i32
    %add3A_377 = arith.addi %mul3A_4, %add3A_376 : i32
    %add3A_378 = arith.constant 32 : i32
    %add3A_379 = arith.addi %add3A_377, %add3A_378 : i32
    %get3A_380 = arith.index_cast %add3A_379 : i32 to index
    %get3A_381 = tpu.vector_load %arg8[%get3A_380] {strides = array<i32>} : memref<16384xi32, #tpu.memory_space<vmem>>, vector<16xi32>,
    %and3A_382 = arith.constant 15 : i32
    %and3A_383 = vector.broadcast %and3A_382 : i32 to vector<16xi32>
    %and3A_384 = arith.andi %get3A_381, %and3A_383 : vector<16xi32>
    %add3A_385 = arith.constant 32 : i32
    %add3A_386 = vector.broadcast %add3A_385 : i32 to vector<16xi32>
    %add3A_387 = arith.addi %iota3A, %add3A_386 : vector<16xi32>
    %gather3A_388 = tpu.vector_load_idx %arg16[%add3A_387, %and3A_384] : memref<128x16xf32, #tpu.memory_space<vmem>>[vector<16xi32>, vector<16xi32>], vector<16xf32>,
    %add3A_389 = arith.constant 128 : i32
    %add3A_390 = vector.broadcast %add3A_389 : i32 to vector<16xi32>
    %add3A_391 = arith.addi %add3A_390, %add3A_387 : vector<16xi32>
    %mul3A_392 = arith.constant 0 : i32
    %mul3A_393 = vector.broadcast %mul3A_392 : i32 to vector<16xi32>
    %mul3A_394 = arith.muli %and3A_384, %mul3A_393 : vector<16xi32>
    tpu.vector_store_idx %arg12[%add3A_391, %mul3A_394], %gather3A_388 : memref<512x1xf32, #tpu.memory_space<vmem>>[vector<16xi32>, vector<16xi32>], vector<16xf32>,
    %add3A_395 = arith.constant 128 : i32
    %add3A_396 = arith.addi %mul3A_4, %add3A_395 : i32
    %add3A_397 = arith.constant 48 : i32
    %add3A_398 = arith.addi %add3A_396, %add3A_397 : i32
    %get3A_399 = arith.index_cast %add3A_398 : i32 to index
    %get3A_400 = tpu.vector_load %arg8[%get3A_399] {strides = array<i32>} : memref<16384xi32, #tpu.memory_space<vmem>>, vector<16xi32>,
    %and3A_401 = arith.constant 15 : i32
    %and3A_402 = vector.broadcast %and3A_401 : i32 to vector<16xi32>
    %and3A_403 = arith.andi %get3A_400, %and3A_402 : vector<16xi32>
    %add3A_404 = arith.constant 48 : i32
    %add3A_405 = vector.broadcast %add3A_404 : i32 to vector<16xi32>
    %add3A_406 = arith.addi %iota3A, %add3A_405 : vector<16xi32>
    %gather3A_407 = tpu.vector_load_idx %arg16[%add3A_406, %and3A_403] : memref<128x16xf32, #tpu.memory_space<vmem>>[vector<16xi32>, vector<16xi32>], vector<16xf32>,
    %add3A_408 = arith.constant 128 : i32
    %add3A_409 = vector.broadcast %add3A_408 : i32 to vector<16xi32>
    %add3A_410 = arith.addi %add3A_409, %add3A_406 : vector<16xi32>
    %mul3A_411 = arith.constant 0 : i32
    %mul3A_412 = vector.broadcast %mul3A_411 : i32 to vector<16xi32>
    %mul3A_413 = arith.muli %and3A_403, %mul3A_412 : vector<16xi32>
    tpu.vector_store_idx %arg12[%add3A_410, %mul3A_413], %gather3A_407 : memref<512x1xf32, #tpu.memory_space<vmem>>[vector<16xi32>, vector<16xi32>], vector<16xf32>,
    %add3A_414 = arith.constant 128 : i32
    %add3A_415 = arith.addi %mul3A_4, %add3A_414 : i32
    %add3A_416 = arith.constant 64 : i32
    %add3A_417 = arith.addi %add3A_415, %add3A_416 : i32
    %get3A_418 = arith.index_cast %add3A_417 : i32 to index
    %get3A_419 = tpu.vector_load %arg8[%get3A_418] {strides = array<i32>} : memref<16384xi32, #tpu.memory_space<vmem>>, vector<16xi32>,
    %and3A_420 = arith.constant 15 : i32
    %and3A_421 = vector.broadcast %and3A_420 : i32 to vector<16xi32>
    %and3A_422 = arith.andi %get3A_419, %and3A_421 : vector<16xi32>
    %add3A_423 = arith.constant 64 : i32
    %add3A_424 = vector.broadcast %add3A_423 : i32 to vector<16xi32>
    %add3A_425 = arith.addi %iota3A, %add3A_424 : vector<16xi32>
    %gather3A_426 = tpu.vector_load_idx %arg16[%add3A_425, %and3A_422] : memref<128x16xf32, #tpu.memory_space<vmem>>[vector<16xi32>, vector<16xi32>], vector<16xf32>,
    %add3A_427 = arith.constant 128 : i32
    %add3A_428 = vector.broadcast %add3A_427 : i32 to vector<16xi32>
    %add3A_429 = arith.addi %add3A_428, %add3A_425 : vector<16xi32>
    %mul3A_430 = arith.constant 0 : i32
    %mul3A_431 = vector.broadcast %mul3A_430 : i32 to vector<16xi32>
    %mul3A_432 = arith.muli %and3A_422, %mul3A_431 : vector<16xi32>
    tpu.vector_store_idx %arg12[%add3A_429, %mul3A_432], %gather3A_426 : memref<512x1xf32, #tpu.memory_space<vmem>>[vector<16xi32>, vector<16xi32>], vector<16xf32>,
    %add3A_433 = arith.constant 128 : i32
    %add3A_434 = arith.addi %mul3A_4, %add3A_433 : i32
    %add3A_435 = arith.constant 80 : i32
    %add3A_436 = arith.addi %add3A_434, %add3A_435 : i32
    %get3A_437 = arith.index_cast %add3A_436 : i32 to index
    %get3A_438 = tpu.vector_load %arg8[%get3A_437] {strides = array<i32>} : memref<16384xi32, #tpu.memory_space<vmem>>, vector<16xi32>,
    %and3A_439 = arith.constant 15 : i32
    %and3A_440 = vector.broadcast %and3A_439 : i32 to vector<16xi32>
    %and3A_441 = arith.andi %get3A_438, %and3A_440 : vector<16xi32>
    %add3A_442 = arith.constant 80 : i32
    %add3A_443 = vector.broadcast %add3A_442 : i32 to vector<16xi32>
    %add3A_444 = arith.addi %iota3A, %add3A_443 : vector<16xi32>
    %gather3A_445 = tpu.vector_load_idx %arg16[%add3A_444, %and3A_441] : memref<128x16xf32, #tpu.memory_space<vmem>>[vector<16xi32>, vector<16xi32>], vector<16xf32>,
    %add3A_446 = arith.constant 128 : i32
    %add3A_447 = vector.broadcast %add3A_446 : i32 to vector<16xi32>
    %add3A_448 = arith.addi %add3A_447, %add3A_444 : vector<16xi32>
    %mul3A_449 = arith.constant 0 : i32
    %mul3A_450 = vector.broadcast %mul3A_449 : i32 to vector<16xi32>
    %mul3A_451 = arith.muli %and3A_441, %mul3A_450 : vector<16xi32>
    tpu.vector_store_idx %arg12[%add3A_448, %mul3A_451], %gather3A_445 : memref<512x1xf32, #tpu.memory_space<vmem>>[vector<16xi32>, vector<16xi32>], vector<16xf32>,
    %add3A_452 = arith.constant 128 : i32
    %add3A_453 = arith.addi %mul3A_4, %add3A_452 : i32
    %add3A_454 = arith.constant 96 : i32
    %add3A_455 = arith.addi %add3A_453, %add3A_454 : i32
    %get3A_456 = arith.index_cast %add3A_455 : i32 to index
    %get3A_457 = tpu.vector_load %arg8[%get3A_456] {strides = array<i32>} : memref<16384xi32, #tpu.memory_space<vmem>>, vector<16xi32>,
    %and3A_458 = arith.constant 15 : i32
    %and3A_459 = vector.broadcast %and3A_458 : i32 to vector<16xi32>
    %and3A_460 = arith.andi %get3A_457, %and3A_459 : vector<16xi32>
    %add3A_461 = arith.constant 96 : i32
    %add3A_462 = vector.broadcast %add3A_461 : i32 to vector<16xi32>
    %add3A_463 = arith.addi %iota3A, %add3A_462 : vector<16xi32>
    %gather3A_464 = tpu.vector_load_idx %arg16[%add3A_463, %and3A_460] : memref<128x16xf32, #tpu.memory_space<vmem>>[vector<16xi32>, vector<16xi32>], vector<16xf32>,
    %add3A_465 = arith.constant 128 : i32
    %add3A_466 = vector.broadcast %add3A_465 : i32 to vector<16xi32>
    %add3A_467 = arith.addi %add3A_466, %add3A_463 : vector<16xi32>
    %mul3A_468 = arith.constant 0 : i32
    %mul3A_469 = vector.broadcast %mul3A_468 : i32 to vector<16xi32>
    %mul3A_470 = arith.muli %and3A_460, %mul3A_469 : vector<16xi32>
    tpu.vector_store_idx %arg12[%add3A_467, %mul3A_470], %gather3A_464 : memref<512x1xf32, #tpu.memory_space<vmem>>[vector<16xi32>, vector<16xi32>], vector<16xf32>,
    %add3A_471 = arith.constant 128 : i32
    %add3A_472 = arith.addi %mul3A_4, %add3A_471 : i32
    %add3A_473 = arith.constant 112 : i32
    %add3A_474 = arith.addi %add3A_472, %add3A_473 : i32
    %get3A_475 = arith.index_cast %add3A_474 : i32 to index
    %get3A_476 = tpu.vector_load %arg8[%get3A_475] {strides = array<i32>} : memref<16384xi32, #tpu.memory_space<vmem>>, vector<16xi32>,
    %and3A_477 = arith.constant 15 : i32
    %and3A_478 = vector.broadcast %and3A_477 : i32 to vector<16xi32>
    %and3A_479 = arith.andi %get3A_476, %and3A_478 : vector<16xi32>
    %add3A_480 = arith.constant 112 : i32
    %add3A_481 = vector.broadcast %add3A_480 : i32 to vector<16xi32>
    %add3A_482 = arith.addi %iota3A, %add3A_481 : vector<16xi32>
    %gather3A_483 = tpu.vector_load_idx %arg16[%add3A_482, %and3A_479] : memref<128x16xf32, #tpu.memory_space<vmem>>[vector<16xi32>, vector<16xi32>], vector<16xf32>,
    %add3A_484 = arith.constant 128 : i32
    %add3A_485 = vector.broadcast %add3A_484 : i32 to vector<16xi32>
    %add3A_486 = arith.addi %add3A_485, %add3A_482 : vector<16xi32>
    %mul3A_487 = arith.constant 0 : i32
    %mul3A_488 = vector.broadcast %mul3A_487 : i32 to vector<16xi32>
    %mul3A_489 = arith.muli %and3A_479, %mul3A_488 : vector<16xi32>
    tpu.vector_store_idx %arg12[%add3A_486, %mul3A_489], %gather3A_483 : memref<512x1xf32, #tpu.memory_space<vmem>>[vector<16xi32>, vector<16xi32>], vector<16xf32>,
    %add3A_490 = arith.constant 256 : i32
    %add3A_491 = arith.addi %mul3A_4, %add3A_490 : i32
    %add3A_492 = arith.constant 0 : i32
    %add3A_493 = arith.addi %add3A_491, %add3A_492 : i32
    %get3A_494 = arith.index_cast %add3A_493 : i32 to index
    %get3A_495 = tpu.vector_load %arg8[%get3A_494] {strides = array<i32>} : memref<16384xi32, #tpu.memory_space<vmem>>, vector<16xi32>,
    %shift_right_arithmetic3A_496 = arith.constant 4 : i32
    %shift_right_arithmetic3A_497 = vector.broadcast %shift_right_arithmetic3A_496 : i32 to vector<16xi32>
    %shift_right_arithmetic3A_498 = arith.shrsi %get3A_495, %shift_right_arithmetic3A_497 : vector<16xi32>
    %swap3A_499 = arith.constant 0 : index
    %swap3A_500 = tpu.vector_load %arg13[%swap3A_499] {strides = array<i32>} : memref<128xi32, #tpu.memory_space<vmem>>, vector<16xi32>,
    tpu.vector_store %arg13[%swap3A_499], %shift_right_arithmetic3A_498 {strides = array<i32>} : memref<128xi32, #tpu.memory_space<vmem>>, vector<16xi32>,
    %add3A_501 = arith.constant 256 : i32
    %add3A_502 = arith.addi %mul3A_4, %add3A_501 : i32
    %add3A_503 = arith.constant 16 : i32
    %add3A_504 = arith.addi %add3A_502, %add3A_503 : i32
    %get3A_505 = arith.index_cast %add3A_504 : i32 to index
    %get3A_506 = tpu.vector_load %arg8[%get3A_505] {strides = array<i32>} : memref<16384xi32, #tpu.memory_space<vmem>>, vector<16xi32>,
    %shift_right_arithmetic3A_507 = arith.constant 4 : i32
    %shift_right_arithmetic3A_508 = vector.broadcast %shift_right_arithmetic3A_507 : i32 to vector<16xi32>
    %shift_right_arithmetic3A_509 = arith.shrsi %get3A_506, %shift_right_arithmetic3A_508 : vector<16xi32>
    %swap3A_510 = arith.constant 16 : index
    %swap3A_511 = tpu.vector_load %arg13[%swap3A_510] {strides = array<i32>} : memref<128xi32, #tpu.memory_space<vmem>>, vector<16xi32>,
    tpu.vector_store %arg13[%swap3A_510], %shift_right_arithmetic3A_509 {strides = array<i32>} : memref<128xi32, #tpu.memory_space<vmem>>, vector<16xi32>,
    %add3A_512 = arith.constant 256 : i32
    %add3A_513 = arith.addi %mul3A_4, %add3A_512 : i32
    %add3A_514 = arith.constant 32 : i32
    %add3A_515 = arith.addi %add3A_513, %add3A_514 : i32
    %get3A_516 = arith.index_cast %add3A_515 : i32 to index
    %get3A_517 = tpu.vector_load %arg8[%get3A_516] {strides = array<i32>} : memref<16384xi32, #tpu.memory_space<vmem>>, vector<16xi32>,
    %shift_right_arithmetic3A_518 = arith.constant 4 : i32
    %shift_right_arithmetic3A_519 = vector.broadcast %shift_right_arithmetic3A_518 : i32 to vector<16xi32>
    %shift_right_arithmetic3A_520 = arith.shrsi %get3A_517, %shift_right_arithmetic3A_519 : vector<16xi32>
    %swap3A_521 = arith.constant 32 : index
    %swap3A_522 = tpu.vector_load %arg13[%swap3A_521] {strides = array<i32>} : memref<128xi32, #tpu.memory_space<vmem>>, vector<16xi32>,
    tpu.vector_store %arg13[%swap3A_521], %shift_right_arithmetic3A_520 {strides = array<i32>} : memref<128xi32, #tpu.memory_space<vmem>>, vector<16xi32>,
    %add3A_523 = arith.constant 256 : i32
    %add3A_524 = arith.addi %mul3A_4, %add3A_523 : i32
    %add3A_525 = arith.constant 48 : i32
    %add3A_526 = arith.addi %add3A_524, %add3A_525 : i32
    %get3A_527 = arith.index_cast %add3A_526 : i32 to index
    %get3A_528 = tpu.vector_load %arg8[%get3A_527] {strides = array<i32>} : memref<16384xi32, #tpu.memory_space<vmem>>, vector<16xi32>,
    %shift_right_arithmetic3A_529 = arith.constant 4 : i32
    %shift_right_arithmetic3A_530 = vector.broadcast %shift_right_arithmetic3A_529 : i32 to vector<16xi32>
    %shift_right_arithmetic3A_531 = arith.shrsi %get3A_528, %shift_right_arithmetic3A_530 : vector<16xi32>
    %swap3A_532 = arith.constant 48 : index
    %swap3A_533 = tpu.vector_load %arg13[%swap3A_532] {strides = array<i32>} : memref<128xi32, #tpu.memory_space<vmem>>, vector<16xi32>,
    tpu.vector_store %arg13[%swap3A_532], %shift_right_arithmetic3A_531 {strides = array<i32>} : memref<128xi32, #tpu.memory_space<vmem>>, vector<16xi32>,
    %add3A_534 = arith.constant 256 : i32
    %add3A_535 = arith.addi %mul3A_4, %add3A_534 : i32
    %add3A_536 = arith.constant 64 : i32
    %add3A_537 = arith.addi %add3A_535, %add3A_536 : i32
    %get3A_538 = arith.index_cast %add3A_537 : i32 to index
    %get3A_539 = tpu.vector_load %arg8[%get3A_538] {strides = array<i32>} : memref<16384xi32, #tpu.memory_space<vmem>>, vector<16xi32>,
    %shift_right_arithmetic3A_540 = arith.constant 4 : i32
    %shift_right_arithmetic3A_541 = vector.broadcast %shift_right_arithmetic3A_540 : i32 to vector<16xi32>
    %shift_right_arithmetic3A_542 = arith.shrsi %get3A_539, %shift_right_arithmetic3A_541 : vector<16xi32>
    %swap3A_543 = arith.constant 64 : index
    %swap3A_544 = tpu.vector_load %arg13[%swap3A_543] {strides = array<i32>} : memref<128xi32, #tpu.memory_space<vmem>>, vector<16xi32>,
    tpu.vector_store %arg13[%swap3A_543], %shift_right_arithmetic3A_542 {strides = array<i32>} : memref<128xi32, #tpu.memory_space<vmem>>, vector<16xi32>,
    %add3A_545 = arith.constant 256 : i32
    %add3A_546 = arith.addi %mul3A_4, %add3A_545 : i32
    %add3A_547 = arith.constant 80 : i32
    %add3A_548 = arith.addi %add3A_546, %add3A_547 : i32
    %get3A_549 = arith.index_cast %add3A_548 : i32 to index
    %get3A_550 = tpu.vector_load %arg8[%get3A_549] {strides = array<i32>} : memref<16384xi32, #tpu.memory_space<vmem>>, vector<16xi32>,
    %shift_right_arithmetic3A_551 = arith.constant 4 : i32
    %shift_right_arithmetic3A_552 = vector.broadcast %shift_right_arithmetic3A_551 : i32 to vector<16xi32>
    %shift_right_arithmetic3A_553 = arith.shrsi %get3A_550, %shift_right_arithmetic3A_552 : vector<16xi32>
    %swap3A_554 = arith.constant 80 : index
    %swap3A_555 = tpu.vector_load %arg13[%swap3A_554] {strides = array<i32>} : memref<128xi32, #tpu.memory_space<vmem>>, vector<16xi32>,
    tpu.vector_store %arg13[%swap3A_554], %shift_right_arithmetic3A_553 {strides = array<i32>} : memref<128xi32, #tpu.memory_space<vmem>>, vector<16xi32>,
    %add3A_556 = arith.constant 256 : i32
    %add3A_557 = arith.addi %mul3A_4, %add3A_556 : i32
    %add3A_558 = arith.constant 96 : i32
    %add3A_559 = arith.addi %add3A_557, %add3A_558 : i32
    %get3A_560 = arith.index_cast %add3A_559 : i32 to index
    %get3A_561 = tpu.vector_load %arg8[%get3A_560] {strides = array<i32>} : memref<16384xi32, #tpu.memory_space<vmem>>, vector<16xi32>,
    %shift_right_arithmetic3A_562 = arith.constant 4 : i32
    %shift_right_arithmetic3A_563 = vector.broadcast %shift_right_arithmetic3A_562 : i32 to vector<16xi32>
    %shift_right_arithmetic3A_564 = arith.shrsi %get3A_561, %shift_right_arithmetic3A_563 : vector<16xi32>
    %swap3A_565 = arith.constant 96 : index
    %swap3A_566 = tpu.vector_load %arg13[%swap3A_565] {strides = array<i32>} : memref<128xi32, #tpu.memory_space<vmem>>, vector<16xi32>,
    tpu.vector_store %arg13[%swap3A_565], %shift_right_arithmetic3A_564 {strides = array<i32>} : memref<128xi32, #tpu.memory_space<vmem>>, vector<16xi32>,
    %add3A_567 = arith.constant 256 : i32
    %add3A_568 = arith.addi %mul3A_4, %add3A_567 : i32
    %add3A_569 = arith.constant 112 : i32
    %add3A_570 = arith.addi %add3A_568, %add3A_569 : i32
    %get3A_571 = arith.index_cast %add3A_570 : i32 to index
    %get3A_572 = tpu.vector_load %arg8[%get3A_571] {strides = array<i32>} : memref<16384xi32, #tpu.memory_space<vmem>>, vector<16xi32>,
    %shift_right_arithmetic3A_573 = arith.constant 4 : i32
    %shift_right_arithmetic3A_574 = vector.broadcast %shift_right_arithmetic3A_573 : i32 to vector<16xi32>
    %shift_right_arithmetic3A_575 = arith.shrsi %get3A_572, %shift_right_arithmetic3A_574 : vector<16xi32>
    %swap3A_576 = arith.constant 112 : index
    %swap3A_577 = tpu.vector_load %arg13[%swap3A_576] {strides = array<i32>} : memref<128xi32, #tpu.memory_space<vmem>>, vector<16xi32>,
    tpu.vector_store %arg13[%swap3A_576], %shift_right_arithmetic3A_575 {strides = array<i32>} : memref<128xi32, #tpu.memory_space<vmem>>, vector<16xi32>,
    %dma_start3A_578 = arith.constant 0 : i32
    %dma_start3A_579 = arith.constant 0 : i32
    %dma_start3A_580 = tpu.memref_slice %arg4[%dma_start3A_578, %dma_start3A_579] : memref<62500x16xf32, #tpu.memory_space<hbm>> -> memref<62500x16xf32, #tpu.memory_space<hbm>>
    tpu.enqueue_indirect_dma source(%dma_start3A_580 : memref<62500x16xf32, #tpu.memory_space<hbm>>) target(%arg16 : memref<128x16xf32, #tpu.memory_space<vmem>>) offsets(%arg13 : memref<128xi32, #tpu.memory_space<vmem>>) semaphore(%arg17 : memref<!tpu.dma_semaphore, #tpu.memory_space<semaphore_mem>>)
    %dma_wait3A_581 = arith.constant 0 : i32
    %dma_wait3A_582 = arith.constant 0 : i32
    %dma_wait3A_583 = tpu.memref_slice %arg4[%dma_wait3A_581, %dma_wait3A_582] : memref<62500x16xf32, #tpu.memory_space<hbm>> -> memref<62500x16xf32, #tpu.memory_space<hbm>>
    tpu.wait_indirect_dma semaphore(%arg17 : memref<!tpu.dma_semaphore, #tpu.memory_space<semaphore_mem>>) src(%dma_wait3A_583 : memref<62500x16xf32, #tpu.memory_space<hbm>>) dst(%arg16 : memref<128x16xf32, #tpu.memory_space<vmem>>)
    %add3A_584 = arith.constant 256 : i32
    %add3A_585 = arith.addi %mul3A_4, %add3A_584 : i32
    %add3A_586 = arith.constant 0 : i32
    %add3A_587 = arith.addi %add3A_585, %add3A_586 : i32
    %get3A_588 = arith.index_cast %add3A_587 : i32 to index
    %get3A_589 = tpu.vector_load %arg8[%get3A_588] {strides = array<i32>} : memref<16384xi32, #tpu.memory_space<vmem>>, vector<16xi32>,
    %and3A_590 = arith.constant 15 : i32
    %and3A_591 = vector.broadcast %and3A_590 : i32 to vector<16xi32>
    %and3A_592 = arith.andi %get3A_589, %and3A_591 : vector<16xi32>
    %add3A_593 = arith.constant 0 : i32
    %add3A_594 = vector.broadcast %add3A_593 : i32 to vector<16xi32>
    %add3A_595 = arith.addi %iota3A, %add3A_594 : vector<16xi32>
    %gather3A_596 = tpu.vector_load_idx %arg16[%add3A_595, %and3A_592] : memref<128x16xf32, #tpu.memory_space<vmem>>[vector<16xi32>, vector<16xi32>], vector<16xf32>,
    %add3A_597 = arith.constant 256 : i32
    %add3A_598 = vector.broadcast %add3A_597 : i32 to vector<16xi32>
    %add3A_599 = arith.addi %add3A_598, %add3A_595 : vector<16xi32>
    %mul3A_600 = arith.constant 0 : i32
    %mul3A_601 = vector.broadcast %mul3A_600 : i32 to vector<16xi32>
    %mul3A_602 = arith.muli %and3A_592, %mul3A_601 : vector<16xi32>
    tpu.vector_store_idx %arg12[%add3A_599, %mul3A_602], %gather3A_596 : memref<512x1xf32, #tpu.memory_space<vmem>>[vector<16xi32>, vector<16xi32>], vector<16xf32>,
    %add3A_603 = arith.constant 256 : i32
    %add3A_604 = arith.addi %mul3A_4, %add3A_603 : i32
    %add3A_605 = arith.constant 16 : i32
    %add3A_606 = arith.addi %add3A_604, %add3A_605 : i32
    %get3A_607 = arith.index_cast %add3A_606 : i32 to index
    %get3A_608 = tpu.vector_load %arg8[%get3A_607] {strides = array<i32>} : memref<16384xi32, #tpu.memory_space<vmem>>, vector<16xi32>,
    %and3A_609 = arith.constant 15 : i32
    %and3A_610 = vector.broadcast %and3A_609 : i32 to vector<16xi32>
    %and3A_611 = arith.andi %get3A_608, %and3A_610 : vector<16xi32>
    %add3A_612 = arith.constant 16 : i32
    %add3A_613 = vector.broadcast %add3A_612 : i32 to vector<16xi32>
    %add3A_614 = arith.addi %iota3A, %add3A_613 : vector<16xi32>
    %gather3A_615 = tpu.vector_load_idx %arg16[%add3A_614, %and3A_611] : memref<128x16xf32, #tpu.memory_space<vmem>>[vector<16xi32>, vector<16xi32>], vector<16xf32>,
    %add3A_616 = arith.constant 256 : i32
    %add3A_617 = vector.broadcast %add3A_616 : i32 to vector<16xi32>
    %add3A_618 = arith.addi %add3A_617, %add3A_614 : vector<16xi32>
    %mul3A_619 = arith.constant 0 : i32
    %mul3A_620 = vector.broadcast %mul3A_619 : i32 to vector<16xi32>
    %mul3A_621 = arith.muli %and3A_611, %mul3A_620 : vector<16xi32>
    tpu.vector_store_idx %arg12[%add3A_618, %mul3A_621], %gather3A_615 : memref<512x1xf32, #tpu.memory_space<vmem>>[vector<16xi32>, vector<16xi32>], vector<16xf32>,
    %add3A_622 = arith.constant 256 : i32
    %add3A_623 = arith.addi %mul3A_4, %add3A_622 : i32
    %add3A_624 = arith.constant 32 : i32
    %add3A_625 = arith.addi %add3A_623, %add3A_624 : i32
    %get3A_626 = arith.index_cast %add3A_625 : i32 to index
    %get3A_627 = tpu.vector_load %arg8[%get3A_626] {strides = array<i32>} : memref<16384xi32, #tpu.memory_space<vmem>>, vector<16xi32>,
    %and3A_628 = arith.constant 15 : i32
    %and3A_629 = vector.broadcast %and3A_628 : i32 to vector<16xi32>
    %and3A_630 = arith.andi %get3A_627, %and3A_629 : vector<16xi32>
    %add3A_631 = arith.constant 32 : i32
    %add3A_632 = vector.broadcast %add3A_631 : i32 to vector<16xi32>
    %add3A_633 = arith.addi %iota3A, %add3A_632 : vector<16xi32>
    %gather3A_634 = tpu.vector_load_idx %arg16[%add3A_633, %and3A_630] : memref<128x16xf32, #tpu.memory_space<vmem>>[vector<16xi32>, vector<16xi32>], vector<16xf32>,
    %add3A_635 = arith.constant 256 : i32
    %add3A_636 = vector.broadcast %add3A_635 : i32 to vector<16xi32>
    %add3A_637 = arith.addi %add3A_636, %add3A_633 : vector<16xi32>
    %mul3A_638 = arith.constant 0 : i32
    %mul3A_639 = vector.broadcast %mul3A_638 : i32 to vector<16xi32>
    %mul3A_640 = arith.muli %and3A_630, %mul3A_639 : vector<16xi32>
    tpu.vector_store_idx %arg12[%add3A_637, %mul3A_640], %gather3A_634 : memref<512x1xf32, #tpu.memory_space<vmem>>[vector<16xi32>, vector<16xi32>], vector<16xf32>,
    %add3A_641 = arith.constant 256 : i32
    %add3A_642 = arith.addi %mul3A_4, %add3A_641 : i32
    %add3A_643 = arith.constant 48 : i32
    %add3A_644 = arith.addi %add3A_642, %add3A_643 : i32
    %get3A_645 = arith.index_cast %add3A_644 : i32 to index
    %get3A_646 = tpu.vector_load %arg8[%get3A_645] {strides = array<i32>} : memref<16384xi32, #tpu.memory_space<vmem>>, vector<16xi32>,
    %and3A_647 = arith.constant 15 : i32
    %and3A_648 = vector.broadcast %and3A_647 : i32 to vector<16xi32>
    %and3A_649 = arith.andi %get3A_646, %and3A_648 : vector<16xi32>
    %add3A_650 = arith.constant 48 : i32
    %add3A_651 = vector.broadcast %add3A_650 : i32 to vector<16xi32>
    %add3A_652 = arith.addi %iota3A, %add3A_651 : vector<16xi32>
    %gather3A_653 = tpu.vector_load_idx %arg16[%add3A_652, %and3A_649] : memref<128x16xf32, #tpu.memory_space<vmem>>[vector<16xi32>, vector<16xi32>], vector<16xf32>,
    %add3A_654 = arith.constant 256 : i32
    %add3A_655 = vector.broadcast %add3A_654 : i32 to vector<16xi32>
    %add3A_656 = arith.addi %add3A_655, %add3A_652 : vector<16xi32>
    %mul3A_657 = arith.constant 0 : i32
    %mul3A_658 = vector.broadcast %mul3A_657 : i32 to vector<16xi32>
    %mul3A_659 = arith.muli %and3A_649, %mul3A_658 : vector<16xi32>
    tpu.vector_store_idx %arg12[%add3A_656, %mul3A_659], %gather3A_653 : memref<512x1xf32, #tpu.memory_space<vmem>>[vector<16xi32>, vector<16xi32>], vector<16xf32>,
    %add3A_660 = arith.constant 256 : i32
    %add3A_661 = arith.addi %mul3A_4, %add3A_660 : i32
    %add3A_662 = arith.constant 64 : i32
    %add3A_663 = arith.addi %add3A_661, %add3A_662 : i32
    %get3A_664 = arith.index_cast %add3A_663 : i32 to index
    %get3A_665 = tpu.vector_load %arg8[%get3A_664] {strides = array<i32>} : memref<16384xi32, #tpu.memory_space<vmem>>, vector<16xi32>,
    %and3A_666 = arith.constant 15 : i32
    %and3A_667 = vector.broadcast %and3A_666 : i32 to vector<16xi32>
    %and3A_668 = arith.andi %get3A_665, %and3A_667 : vector<16xi32>
    %add3A_669 = arith.constant 64 : i32
    %add3A_670 = vector.broadcast %add3A_669 : i32 to vector<16xi32>
    %add3A_671 = arith.addi %iota3A, %add3A_670 : vector<16xi32>
    %gather3A_672 = tpu.vector_load_idx %arg16[%add3A_671, %and3A_668] : memref<128x16xf32, #tpu.memory_space<vmem>>[vector<16xi32>, vector<16xi32>], vector<16xf32>,
    %add3A_673 = arith.constant 256 : i32
    %add3A_674 = vector.broadcast %add3A_673 : i32 to vector<16xi32>
    %add3A_675 = arith.addi %add3A_674, %add3A_671 : vector<16xi32>
    %mul3A_676 = arith.constant 0 : i32
    %mul3A_677 = vector.broadcast %mul3A_676 : i32 to vector<16xi32>
    %mul3A_678 = arith.muli %and3A_668, %mul3A_677 : vector<16xi32>
    tpu.vector_store_idx %arg12[%add3A_675, %mul3A_678], %gather3A_672 : memref<512x1xf32, #tpu.memory_space<vmem>>[vector<16xi32>, vector<16xi32>], vector<16xf32>,
    %add3A_679 = arith.constant 256 : i32
    %add3A_680 = arith.addi %mul3A_4, %add3A_679 : i32
    %add3A_681 = arith.constant 80 : i32
    %add3A_682 = arith.addi %add3A_680, %add3A_681 : i32
    %get3A_683 = arith.index_cast %add3A_682 : i32 to index
    %get3A_684 = tpu.vector_load %arg8[%get3A_683] {strides = array<i32>} : memref<16384xi32, #tpu.memory_space<vmem>>, vector<16xi32>,
    %and3A_685 = arith.constant 15 : i32
    %and3A_686 = vector.broadcast %and3A_685 : i32 to vector<16xi32>
    %and3A_687 = arith.andi %get3A_684, %and3A_686 : vector<16xi32>
    %add3A_688 = arith.constant 80 : i32
    %add3A_689 = vector.broadcast %add3A_688 : i32 to vector<16xi32>
    %add3A_690 = arith.addi %iota3A, %add3A_689 : vector<16xi32>
    %gather3A_691 = tpu.vector_load_idx %arg16[%add3A_690, %and3A_687] : memref<128x16xf32, #tpu.memory_space<vmem>>[vector<16xi32>, vector<16xi32>], vector<16xf32>,
    %add3A_692 = arith.constant 256 : i32
    %add3A_693 = vector.broadcast %add3A_692 : i32 to vector<16xi32>
    %add3A_694 = arith.addi %add3A_693, %add3A_690 : vector<16xi32>
    %mul3A_695 = arith.constant 0 : i32
    %mul3A_696 = vector.broadcast %mul3A_695 : i32 to vector<16xi32>
    %mul3A_697 = arith.muli %and3A_687, %mul3A_696 : vector<16xi32>
    tpu.vector_store_idx %arg12[%add3A_694, %mul3A_697], %gather3A_691 : memref<512x1xf32, #tpu.memory_space<vmem>>[vector<16xi32>, vector<16xi32>], vector<16xf32>,
    %add3A_698 = arith.constant 256 : i32
    %add3A_699 = arith.addi %mul3A_4, %add3A_698 : i32
    %add3A_700 = arith.constant 96 : i32
    %add3A_701 = arith.addi %add3A_699, %add3A_700 : i32
    %get3A_702 = arith.index_cast %add3A_701 : i32 to index
    %get3A_703 = tpu.vector_load %arg8[%get3A_702] {strides = array<i32>} : memref<16384xi32, #tpu.memory_space<vmem>>, vector<16xi32>,
    %and3A_704 = arith.constant 15 : i32
    %and3A_705 = vector.broadcast %and3A_704 : i32 to vector<16xi32>
    %and3A_706 = arith.andi %get3A_703, %and3A_705 : vector<16xi32>
    %add3A_707 = arith.constant 96 : i32
    %add3A_708 = vector.broadcast %add3A_707 : i32 to vector<16xi32>
    %add3A_709 = arith.addi %iota3A, %add3A_708 : vector<16xi32>
    %gather3A_710 = tpu.vector_load_idx %arg16[%add3A_709, %and3A_706] : memref<128x16xf32, #tpu.memory_space<vmem>>[vector<16xi32>, vector<16xi32>], vector<16xf32>,
    %add3A_711 = arith.constant 256 : i32
    %add3A_712 = vector.broadcast %add3A_711 : i32 to vector<16xi32>
    %add3A_713 = arith.addi %add3A_712, %add3A_709 : vector<16xi32>
    %mul3A_714 = arith.constant 0 : i32
    %mul3A_715 = vector.broadcast %mul3A_714 : i32 to vector<16xi32>
    %mul3A_716 = arith.muli %and3A_706, %mul3A_715 : vector<16xi32>
    tpu.vector_store_idx %arg12[%add3A_713, %mul3A_716], %gather3A_710 : memref<512x1xf32, #tpu.memory_space<vmem>>[vector<16xi32>, vector<16xi32>], vector<16xf32>,
    %add3A_717 = arith.constant 256 : i32
    %add3A_718 = arith.addi %mul3A_4, %add3A_717 : i32
    %add3A_719 = arith.constant 112 : i32
    %add3A_720 = arith.addi %add3A_718, %add3A_719 : i32
    %get3A_721 = arith.index_cast %add3A_720 : i32 to index
    %get3A_722 = tpu.vector_load %arg8[%get3A_721] {strides = array<i32>} : memref<16384xi32, #tpu.memory_space<vmem>>, vector<16xi32>,
    %and3A_723 = arith.constant 15 : i32
    %and3A_724 = vector.broadcast %and3A_723 : i32 to vector<16xi32>
    %and3A_725 = arith.andi %get3A_722, %and3A_724 : vector<16xi32>
    %add3A_726 = arith.constant 112 : i32
    %add3A_727 = vector.broadcast %add3A_726 : i32 to vector<16xi32>
    %add3A_728 = arith.addi %iota3A, %add3A_727 : vector<16xi32>
    %gather3A_729 = tpu.vector_load_idx %arg16[%add3A_728, %and3A_725] : memref<128x16xf32, #tpu.memory_space<vmem>>[vector<16xi32>, vector<16xi32>], vector<16xf32>,
    %add3A_730 = arith.constant 256 : i32
    %add3A_731 = vector.broadcast %add3A_730 : i32 to vector<16xi32>
    %add3A_732 = arith.addi %add3A_731, %add3A_728 : vector<16xi32>
    %mul3A_733 = arith.constant 0 : i32
    %mul3A_734 = vector.broadcast %mul3A_733 : i32 to vector<16xi32>
    %mul3A_735 = arith.muli %and3A_725, %mul3A_734 : vector<16xi32>
    tpu.vector_store_idx %arg12[%add3A_732, %mul3A_735], %gather3A_729 : memref<512x1xf32, #tpu.memory_space<vmem>>[vector<16xi32>, vector<16xi32>], vector<16xf32>,
    %add3A_736 = arith.constant 384 : i32
    %add3A_737 = arith.addi %mul3A_4, %add3A_736 : i32
    %add3A_738 = arith.constant 0 : i32
    %add3A_739 = arith.addi %add3A_737, %add3A_738 : i32
    %get3A_740 = arith.index_cast %add3A_739 : i32 to index
    %get3A_741 = tpu.vector_load %arg8[%get3A_740] {strides = array<i32>} : memref<16384xi32, #tpu.memory_space<vmem>>, vector<16xi32>,
    %shift_right_arithmetic3A_742 = arith.constant 4 : i32
    %shift_right_arithmetic3A_743 = vector.broadcast %shift_right_arithmetic3A_742 : i32 to vector<16xi32>
    %shift_right_arithmetic3A_744 = arith.shrsi %get3A_741, %shift_right_arithmetic3A_743 : vector<16xi32>
    %swap3A_745 = arith.constant 0 : index
    %swap3A_746 = tpu.vector_load %arg13[%swap3A_745] {strides = array<i32>} : memref<128xi32, #tpu.memory_space<vmem>>, vector<16xi32>,
    tpu.vector_store %arg13[%swap3A_745], %shift_right_arithmetic3A_744 {strides = array<i32>} : memref<128xi32, #tpu.memory_space<vmem>>, vector<16xi32>,
    %add3A_747 = arith.constant 384 : i32
    %add3A_748 = arith.addi %mul3A_4, %add3A_747 : i32
    %add3A_749 = arith.constant 16 : i32
    %add3A_750 = arith.addi %add3A_748, %add3A_749 : i32
    %get3A_751 = arith.index_cast %add3A_750 : i32 to index
    %get3A_752 = tpu.vector_load %arg8[%get3A_751] {strides = array<i32>} : memref<16384xi32, #tpu.memory_space<vmem>>, vector<16xi32>,
    %shift_right_arithmetic3A_753 = arith.constant 4 : i32
    %shift_right_arithmetic3A_754 = vector.broadcast %shift_right_arithmetic3A_753 : i32 to vector<16xi32>
    %shift_right_arithmetic3A_755 = arith.shrsi %get3A_752, %shift_right_arithmetic3A_754 : vector<16xi32>
    %swap3A_756 = arith.constant 16 : index
    %swap3A_757 = tpu.vector_load %arg13[%swap3A_756] {strides = array<i32>} : memref<128xi32, #tpu.memory_space<vmem>>, vector<16xi32>,
    tpu.vector_store %arg13[%swap3A_756], %shift_right_arithmetic3A_755 {strides = array<i32>} : memref<128xi32, #tpu.memory_space<vmem>>, vector<16xi32>,
    %add3A_758 = arith.constant 384 : i32
    %add3A_759 = arith.addi %mul3A_4, %add3A_758 : i32
    %add3A_760 = arith.constant 32 : i32
    %add3A_761 = arith.addi %add3A_759, %add3A_760 : i32
    %get3A_762 = arith.index_cast %add3A_761 : i32 to index
    %get3A_763 = tpu.vector_load %arg8[%get3A_762] {strides = array<i32>} : memref<16384xi32, #tpu.memory_space<vmem>>, vector<16xi32>,
    %shift_right_arithmetic3A_764 = arith.constant 4 : i32
    %shift_right_arithmetic3A_765 = vector.broadcast %shift_right_arithmetic3A_764 : i32 to vector<16xi32>
    %shift_right_arithmetic3A_766 = arith.shrsi %get3A_763, %shift_right_arithmetic3A_765 : vector<16xi32>
    %swap3A_767 = arith.constant 32 : index
    %swap3A_768 = tpu.vector_load %arg13[%swap3A_767] {strides = array<i32>} : memref<128xi32, #tpu.memory_space<vmem>>, vector<16xi32>,
    tpu.vector_store %arg13[%swap3A_767], %shift_right_arithmetic3A_766 {strides = array<i32>} : memref<128xi32, #tpu.memory_space<vmem>>, vector<16xi32>,
    %add3A_769 = arith.constant 384 : i32
    %add3A_770 = arith.addi %mul3A_4, %add3A_769 : i32
    %add3A_771 = arith.constant 48 : i32
    %add3A_772 = arith.addi %add3A_770, %add3A_771 : i32
    %get3A_773 = arith.index_cast %add3A_772 : i32 to index
    %get3A_774 = tpu.vector_load %arg8[%get3A_773] {strides = array<i32>} : memref<16384xi32, #tpu.memory_space<vmem>>, vector<16xi32>,
    %shift_right_arithmetic3A_775 = arith.constant 4 : i32
    %shift_right_arithmetic3A_776 = vector.broadcast %shift_right_arithmetic3A_775 : i32 to vector<16xi32>
    %shift_right_arithmetic3A_777 = arith.shrsi %get3A_774, %shift_right_arithmetic3A_776 : vector<16xi32>
    %swap3A_778 = arith.constant 48 : index
    %swap3A_779 = tpu.vector_load %arg13[%swap3A_778] {strides = array<i32>} : memref<128xi32, #tpu.memory_space<vmem>>, vector<16xi32>,
    tpu.vector_store %arg13[%swap3A_778], %shift_right_arithmetic3A_777 {strides = array<i32>} : memref<128xi32, #tpu.memory_space<vmem>>, vector<16xi32>,
    %add3A_780 = arith.constant 384 : i32
    %add3A_781 = arith.addi %mul3A_4, %add3A_780 : i32
    %add3A_782 = arith.constant 64 : i32
    %add3A_783 = arith.addi %add3A_781, %add3A_782 : i32
    %get3A_784 = arith.index_cast %add3A_783 : i32 to index
    %get3A_785 = tpu.vector_load %arg8[%get3A_784] {strides = array<i32>} : memref<16384xi32, #tpu.memory_space<vmem>>, vector<16xi32>,
    %shift_right_arithmetic3A_786 = arith.constant 4 : i32
    %shift_right_arithmetic3A_787 = vector.broadcast %shift_right_arithmetic3A_786 : i32 to vector<16xi32>
    %shift_right_arithmetic3A_788 = arith.shrsi %get3A_785, %shift_right_arithmetic3A_787 : vector<16xi32>
    %swap3A_789 = arith.constant 64 : index
    %swap3A_790 = tpu.vector_load %arg13[%swap3A_789] {strides = array<i32>} : memref<128xi32, #tpu.memory_space<vmem>>, vector<16xi32>,
    tpu.vector_store %arg13[%swap3A_789], %shift_right_arithmetic3A_788 {strides = array<i32>} : memref<128xi32, #tpu.memory_space<vmem>>, vector<16xi32>,
    %add3A_791 = arith.constant 384 : i32
    %add3A_792 = arith.addi %mul3A_4, %add3A_791 : i32
    %add3A_793 = arith.constant 80 : i32
    %add3A_794 = arith.addi %add3A_792, %add3A_793 : i32
    %get3A_795 = arith.index_cast %add3A_794 : i32 to index
    %get3A_796 = tpu.vector_load %arg8[%get3A_795] {strides = array<i32>} : memref<16384xi32, #tpu.memory_space<vmem>>, vector<16xi32>,
    %shift_right_arithmetic3A_797 = arith.constant 4 : i32
    %shift_right_arithmetic3A_798 = vector.broadcast %shift_right_arithmetic3A_797 : i32 to vector<16xi32>
    %shift_right_arithmetic3A_799 = arith.shrsi %get3A_796, %shift_right_arithmetic3A_798 : vector<16xi32>
    %swap3A_800 = arith.constant 80 : index
    %swap3A_801 = tpu.vector_load %arg13[%swap3A_800] {strides = array<i32>} : memref<128xi32, #tpu.memory_space<vmem>>, vector<16xi32>,
    tpu.vector_store %arg13[%swap3A_800], %shift_right_arithmetic3A_799 {strides = array<i32>} : memref<128xi32, #tpu.memory_space<vmem>>, vector<16xi32>,
    %add3A_802 = arith.constant 384 : i32
    %add3A_803 = arith.addi %mul3A_4, %add3A_802 : i32
    %add3A_804 = arith.constant 96 : i32
    %add3A_805 = arith.addi %add3A_803, %add3A_804 : i32
    %get3A_806 = arith.index_cast %add3A_805 : i32 to index
    %get3A_807 = tpu.vector_load %arg8[%get3A_806] {strides = array<i32>} : memref<16384xi32, #tpu.memory_space<vmem>>, vector<16xi32>,
    %shift_right_arithmetic3A_808 = arith.constant 4 : i32
    %shift_right_arithmetic3A_809 = vector.broadcast %shift_right_arithmetic3A_808 : i32 to vector<16xi32>
    %shift_right_arithmetic3A_810 = arith.shrsi %get3A_807, %shift_right_arithmetic3A_809 : vector<16xi32>
    %swap3A_811 = arith.constant 96 : index
    %swap3A_812 = tpu.vector_load %arg13[%swap3A_811] {strides = array<i32>} : memref<128xi32, #tpu.memory_space<vmem>>, vector<16xi32>,
    tpu.vector_store %arg13[%swap3A_811], %shift_right_arithmetic3A_810 {strides = array<i32>} : memref<128xi32, #tpu.memory_space<vmem>>, vector<16xi32>,
    %add3A_813 = arith.constant 384 : i32
    %add3A_814 = arith.addi %mul3A_4, %add3A_813 : i32
    %add3A_815 = arith.constant 112 : i32
    %add3A_816 = arith.addi %add3A_814, %add3A_815 : i32
    %get3A_817 = arith.index_cast %add3A_816 : i32 to index
    %get3A_818 = tpu.vector_load %arg8[%get3A_817] {strides = array<i32>} : memref<16384xi32, #tpu.memory_space<vmem>>, vector<16xi32>,
    %shift_right_arithmetic3A_819 = arith.constant 4 : i32
    %shift_right_arithmetic3A_820 = vector.broadcast %shift_right_arithmetic3A_819 : i32 to vector<16xi32>
    %shift_right_arithmetic3A_821 = arith.shrsi %get3A_818, %shift_right_arithmetic3A_820 : vector<16xi32>
    %swap3A_822 = arith.constant 112 : index
    %swap3A_823 = tpu.vector_load %arg13[%swap3A_822] {strides = array<i32>} : memref<128xi32, #tpu.memory_space<vmem>>, vector<16xi32>,
    tpu.vector_store %arg13[%swap3A_822], %shift_right_arithmetic3A_821 {strides = array<i32>} : memref<128xi32, #tpu.memory_space<vmem>>, vector<16xi32>,
    %dma_start3A_824 = arith.constant 0 : i32
    %dma_start3A_825 = arith.constant 0 : i32
    %dma_start3A_826 = tpu.memref_slice %arg4[%dma_start3A_824, %dma_start3A_825] : memref<62500x16xf32, #tpu.memory_space<hbm>> -> memref<62500x16xf32, #tpu.memory_space<hbm>>
    tpu.enqueue_indirect_dma source(%dma_start3A_826 : memref<62500x16xf32, #tpu.memory_space<hbm>>) target(%arg16 : memref<128x16xf32, #tpu.memory_space<vmem>>) offsets(%arg13 : memref<128xi32, #tpu.memory_space<vmem>>) semaphore(%arg17 : memref<!tpu.dma_semaphore, #tpu.memory_space<semaphore_mem>>)
    %dma_wait3A_827 = arith.constant 0 : i32
    %dma_wait3A_828 = arith.constant 0 : i32
    %dma_wait3A_829 = tpu.memref_slice %arg4[%dma_wait3A_827, %dma_wait3A_828] : memref<62500x16xf32, #tpu.memory_space<hbm>> -> memref<62500x16xf32, #tpu.memory_space<hbm>>
    tpu.wait_indirect_dma semaphore(%arg17 : memref<!tpu.dma_semaphore, #tpu.memory_space<semaphore_mem>>) src(%dma_wait3A_829 : memref<62500x16xf32, #tpu.memory_space<hbm>>) dst(%arg16 : memref<128x16xf32, #tpu.memory_space<vmem>>)
    %add3A_830 = arith.constant 384 : i32
    %add3A_831 = arith.addi %mul3A_4, %add3A_830 : i32
    %add3A_832 = arith.constant 0 : i32
    %add3A_833 = arith.addi %add3A_831, %add3A_832 : i32
    %get3A_834 = arith.index_cast %add3A_833 : i32 to index
    %get3A_835 = tpu.vector_load %arg8[%get3A_834] {strides = array<i32>} : memref<16384xi32, #tpu.memory_space<vmem>>, vector<16xi32>,
    %and3A_836 = arith.constant 15 : i32
    %and3A_837 = vector.broadcast %and3A_836 : i32 to vector<16xi32>
    %and3A_838 = arith.andi %get3A_835, %and3A_837 : vector<16xi32>
    %add3A_839 = arith.constant 0 : i32
    %add3A_840 = vector.broadcast %add3A_839 : i32 to vector<16xi32>
    %add3A_841 = arith.addi %iota3A, %add3A_840 : vector<16xi32>
    %gather3A_842 = tpu.vector_load_idx %arg16[%add3A_841, %and3A_838] : memref<128x16xf32, #tpu.memory_space<vmem>>[vector<16xi32>, vector<16xi32>], vector<16xf32>,
    %add3A_843 = arith.constant 384 : i32
    %add3A_844 = vector.broadcast %add3A_843 : i32 to vector<16xi32>
    %add3A_845 = arith.addi %add3A_844, %add3A_841 : vector<16xi32>
    %mul3A_846 = arith.constant 0 : i32
    %mul3A_847 = vector.broadcast %mul3A_846 : i32 to vector<16xi32>
    %mul3A_848 = arith.muli %and3A_838, %mul3A_847 : vector<16xi32>
    tpu.vector_store_idx %arg12[%add3A_845, %mul3A_848], %gather3A_842 : memref<512x1xf32, #tpu.memory_space<vmem>>[vector<16xi32>, vector<16xi32>], vector<16xf32>,
    %add3A_849 = arith.constant 384 : i32
    %add3A_850 = arith.addi %mul3A_4, %add3A_849 : i32
    %add3A_851 = arith.constant 16 : i32
    %add3A_852 = arith.addi %add3A_850, %add3A_851 : i32
    %get3A_853 = arith.index_cast %add3A_852 : i32 to index
    %get3A_854 = tpu.vector_load %arg8[%get3A_853] {strides = array<i32>} : memref<16384xi32, #tpu.memory_space<vmem>>, vector<16xi32>,
    %and3A_855 = arith.constant 15 : i32
    %and3A_856 = vector.broadcast %and3A_855 : i32 to vector<16xi32>
    %and3A_857 = arith.andi %get3A_854, %and3A_856 : vector<16xi32>
    %add3A_858 = arith.constant 16 : i32
    %add3A_859 = vector.broadcast %add3A_858 : i32 to vector<16xi32>
    %add3A_860 = arith.addi %iota3A, %add3A_859 : vector<16xi32>
    %gather3A_861 = tpu.vector_load_idx %arg16[%add3A_860, %and3A_857] : memref<128x16xf32, #tpu.memory_space<vmem>>[vector<16xi32>, vector<16xi32>], vector<16xf32>,
    %add3A_862 = arith.constant 384 : i32
    %add3A_863 = vector.broadcast %add3A_862 : i32 to vector<16xi32>
    %add3A_864 = arith.addi %add3A_863, %add3A_860 : vector<16xi32>
    %mul3A_865 = arith.constant 0 : i32
    %mul3A_866 = vector.broadcast %mul3A_865 : i32 to vector<16xi32>
    %mul3A_867 = arith.muli %and3A_857, %mul3A_866 : vector<16xi32>
    tpu.vector_store_idx %arg12[%add3A_864, %mul3A_867], %gather3A_861 : memref<512x1xf32, #tpu.memory_space<vmem>>[vector<16xi32>, vector<16xi32>], vector<16xf32>,
    %add3A_868 = arith.constant 384 : i32
    %add3A_869 = arith.addi %mul3A_4, %add3A_868 : i32
    %add3A_870 = arith.constant 32 : i32
    %add3A_871 = arith.addi %add3A_869, %add3A_870 : i32
    %get3A_872 = arith.index_cast %add3A_871 : i32 to index
    %get3A_873 = tpu.vector_load %arg8[%get3A_872] {strides = array<i32>} : memref<16384xi32, #tpu.memory_space<vmem>>, vector<16xi32>,
    %and3A_874 = arith.constant 15 : i32
    %and3A_875 = vector.broadcast %and3A_874 : i32 to vector<16xi32>
    %and3A_876 = arith.andi %get3A_873, %and3A_875 : vector<16xi32>
    %add3A_877 = arith.constant 32 : i32
    %add3A_878 = vector.broadcast %add3A_877 : i32 to vector<16xi32>
    %add3A_879 = arith.addi %iota3A, %add3A_878 : vector<16xi32>
    %gather3A_880 = tpu.vector_load_idx %arg16[%add3A_879, %and3A_876] : memref<128x16xf32, #tpu.memory_space<vmem>>[vector<16xi32>, vector<16xi32>], vector<16xf32>,
    %add3A_881 = arith.constant 384 : i32
    %add3A_882 = vector.broadcast %add3A_881 : i32 to vector<16xi32>
    %add3A_883 = arith.addi %add3A_882, %add3A_879 : vector<16xi32>
    %mul3A_884 = arith.constant 0 : i32
    %mul3A_885 = vector.broadcast %mul3A_884 : i32 to vector<16xi32>
    %mul3A_886 = arith.muli %and3A_876, %mul3A_885 : vector<16xi32>
    tpu.vector_store_idx %arg12[%add3A_883, %mul3A_886], %gather3A_880 : memref<512x1xf32, #tpu.memory_space<vmem>>[vector<16xi32>, vector<16xi32>], vector<16xf32>,
    %add3A_887 = arith.constant 384 : i32
    %add3A_888 = arith.addi %mul3A_4, %add3A_887 : i32
    %add3A_889 = arith.constant 48 : i32
    %add3A_890 = arith.addi %add3A_888, %add3A_889 : i32
    %get3A_891 = arith.index_cast %add3A_890 : i32 to index
    %get3A_892 = tpu.vector_load %arg8[%get3A_891] {strides = array<i32>} : memref<16384xi32, #tpu.memory_space<vmem>>, vector<16xi32>,
    %and3A_893 = arith.constant 15 : i32
    %and3A_894 = vector.broadcast %and3A_893 : i32 to vector<16xi32>
    %and3A_895 = arith.andi %get3A_892, %and3A_894 : vector<16xi32>
    %add3A_896 = arith.constant 48 : i32
    %add3A_897 = vector.broadcast %add3A_896 : i32 to vector<16xi32>
    %add3A_898 = arith.addi %iota3A, %add3A_897 : vector<16xi32>
    %gather3A_899 = tpu.vector_load_idx %arg16[%add3A_898, %and3A_895] : memref<128x16xf32, #tpu.memory_space<vmem>>[vector<16xi32>, vector<16xi32>], vector<16xf32>,
    %add3A_900 = arith.constant 384 : i32
    %add3A_901 = vector.broadcast %add3A_900 : i32 to vector<16xi32>
    %add3A_902 = arith.addi %add3A_901, %add3A_898 : vector<16xi32>
    %mul3A_903 = arith.constant 0 : i32
    %mul3A_904 = vector.broadcast %mul3A_903 : i32 to vector<16xi32>
    %mul3A_905 = arith.muli %and3A_895, %mul3A_904 : vector<16xi32>
    tpu.vector_store_idx %arg12[%add3A_902, %mul3A_905], %gather3A_899 : memref<512x1xf32, #tpu.memory_space<vmem>>[vector<16xi32>, vector<16xi32>], vector<16xf32>,
    %add3A_906 = arith.constant 384 : i32
    %add3A_907 = arith.addi %mul3A_4, %add3A_906 : i32
    %add3A_908 = arith.constant 64 : i32
    %add3A_909 = arith.addi %add3A_907, %add3A_908 : i32
    %get3A_910 = arith.index_cast %add3A_909 : i32 to index
    %get3A_911 = tpu.vector_load %arg8[%get3A_910] {strides = array<i32>} : memref<16384xi32, #tpu.memory_space<vmem>>, vector<16xi32>,
    %and3A_912 = arith.constant 15 : i32
    %and3A_913 = vector.broadcast %and3A_912 : i32 to vector<16xi32>
    %and3A_914 = arith.andi %get3A_911, %and3A_913 : vector<16xi32>
    %add3A_915 = arith.constant 64 : i32
    %add3A_916 = vector.broadcast %add3A_915 : i32 to vector<16xi32>
    %add3A_917 = arith.addi %iota3A, %add3A_916 : vector<16xi32>
    %gather3A_918 = tpu.vector_load_idx %arg16[%add3A_917, %and3A_914] : memref<128x16xf32, #tpu.memory_space<vmem>>[vector<16xi32>, vector<16xi32>], vector<16xf32>,
    %add3A_919 = arith.constant 384 : i32
    %add3A_920 = vector.broadcast %add3A_919 : i32 to vector<16xi32>
    %add3A_921 = arith.addi %add3A_920, %add3A_917 : vector<16xi32>
    %mul3A_922 = arith.constant 0 : i32
    %mul3A_923 = vector.broadcast %mul3A_922 : i32 to vector<16xi32>
    %mul3A_924 = arith.muli %and3A_914, %mul3A_923 : vector<16xi32>
    tpu.vector_store_idx %arg12[%add3A_921, %mul3A_924], %gather3A_918 : memref<512x1xf32, #tpu.memory_space<vmem>>[vector<16xi32>, vector<16xi32>], vector<16xf32>,
    %add3A_925 = arith.constant 384 : i32
    %add3A_926 = arith.addi %mul3A_4, %add3A_925 : i32
    %add3A_927 = arith.constant 80 : i32
    %add3A_928 = arith.addi %add3A_926, %add3A_927 : i32
    %get3A_929 = arith.index_cast %add3A_928 : i32 to index
    %get3A_930 = tpu.vector_load %arg8[%get3A_929] {strides = array<i32>} : memref<16384xi32, #tpu.memory_space<vmem>>, vector<16xi32>,
    %and3A_931 = arith.constant 15 : i32
    %and3A_932 = vector.broadcast %and3A_931 : i32 to vector<16xi32>
    %and3A_933 = arith.andi %get3A_930, %and3A_932 : vector<16xi32>
    %add3A_934 = arith.constant 80 : i32
    %add3A_935 = vector.broadcast %add3A_934 : i32 to vector<16xi32>
    %add3A_936 = arith.addi %iota3A, %add3A_935 : vector<16xi32>
    %gather3A_937 = tpu.vector_load_idx %arg16[%add3A_936, %and3A_933] : memref<128x16xf32, #tpu.memory_space<vmem>>[vector<16xi32>, vector<16xi32>], vector<16xf32>,
    %add3A_938 = arith.constant 384 : i32
    %add3A_939 = vector.broadcast %add3A_938 : i32 to vector<16xi32>
    %add3A_940 = arith.addi %add3A_939, %add3A_936 : vector<16xi32>
    %mul3A_941 = arith.constant 0 : i32
    %mul3A_942 = vector.broadcast %mul3A_941 : i32 to vector<16xi32>
    %mul3A_943 = arith.muli %and3A_933, %mul3A_942 : vector<16xi32>
    tpu.vector_store_idx %arg12[%add3A_940, %mul3A_943], %gather3A_937 : memref<512x1xf32, #tpu.memory_space<vmem>>[vector<16xi32>, vector<16xi32>], vector<16xf32>,
    %add3A_944 = arith.constant 384 : i32
    %add3A_945 = arith.addi %mul3A_4, %add3A_944 : i32
    %add3A_946 = arith.constant 96 : i32
    %add3A_947 = arith.addi %add3A_945, %add3A_946 : i32
    %get3A_948 = arith.index_cast %add3A_947 : i32 to index
    %get3A_949 = tpu.vector_load %arg8[%get3A_948] {strides = array<i32>} : memref<16384xi32, #tpu.memory_space<vmem>>, vector<16xi32>,
    %and3A_950 = arith.constant 15 : i32
    %and3A_951 = vector.broadcast %and3A_950 : i32 to vector<16xi32>
    %and3A_952 = arith.andi %get3A_949, %and3A_951 : vector<16xi32>
    %add3A_953 = arith.constant 96 : i32
    %add3A_954 = vector.broadcast %add3A_953 : i32 to vector<16xi32>
    %add3A_955 = arith.addi %iota3A, %add3A_954 : vector<16xi32>
    %gather3A_956 = tpu.vector_load_idx %arg16[%add3A_955, %and3A_952] : memref<128x16xf32, #tpu.memory_space<vmem>>[vector<16xi32>, vector<16xi32>], vector<16xf32>,
    %add3A_957 = arith.constant 384 : i32
    %add3A_958 = vector.broadcast %add3A_957 : i32 to vector<16xi32>
    %add3A_959 = arith.addi %add3A_958, %add3A_955 : vector<16xi32>
    %mul3A_960 = arith.constant 0 : i32
    %mul3A_961 = vector.broadcast %mul3A_960 : i32 to vector<16xi32>
    %mul3A_962 = arith.muli %and3A_952, %mul3A_961 : vector<16xi32>
    tpu.vector_store_idx %arg12[%add3A_959, %mul3A_962], %gather3A_956 : memref<512x1xf32, #tpu.memory_space<vmem>>[vector<16xi32>, vector<16xi32>], vector<16xf32>,
    %add3A_963 = arith.constant 384 : i32
    %add3A_964 = arith.addi %mul3A_4, %add3A_963 : i32
    %add3A_965 = arith.constant 112 : i32
    %add3A_966 = arith.addi %add3A_964, %add3A_965 : i32
    %get3A_967 = arith.index_cast %add3A_966 : i32 to index
    %get3A_968 = tpu.vector_load %arg8[%get3A_967] {strides = array<i32>} : memref<16384xi32, #tpu.memory_space<vmem>>, vector<16xi32>,
    %and3A_969 = arith.constant 15 : i32
    %and3A_970 = vector.broadcast %and3A_969 : i32 to vector<16xi32>
    %and3A_971 = arith.andi %get3A_968, %and3A_970 : vector<16xi32>
    %add3A_972 = arith.constant 112 : i32
    %add3A_973 = vector.broadcast %add3A_972 : i32 to vector<16xi32>
    %add3A_974 = arith.addi %iota3A, %add3A_973 : vector<16xi32>
    %gather3A_975 = tpu.vector_load_idx %arg16[%add3A_974, %and3A_971] : memref<128x16xf32, #tpu.memory_space<vmem>>[vector<16xi32>, vector<16xi32>], vector<16xf32>,
    %add3A_976 = arith.constant 384 : i32
    %add3A_977 = vector.broadcast %add3A_976 : i32 to vector<16xi32>
    %add3A_978 = arith.addi %add3A_977, %add3A_974 : vector<16xi32>
    %mul3A_979 = arith.constant 0 : i32
    %mul3A_980 = vector.broadcast %mul3A_979 : i32 to vector<16xi32>
    %mul3A_981 = arith.muli %and3A_971, %mul3A_980 : vector<16xi32>
    tpu.vector_store_idx %arg12[%add3A_978, %mul3A_981], %gather3A_975 : memref<512x1xf32, #tpu.memory_space<vmem>>[vector<16xi32>, vector<16xi32>], vector<16xf32>,
    "tpu.region"() ({
      %run_scoped3A = tpu.sem_alloc : memref<!tpu.dma_semaphore, #tpu.memory_space<semaphore_mem>>
      %dma_start3A_1003 = arith.constant 0 : i32
      %dma_start3A_1004 = tpu.memref_slice %arg6[%mul3A_4, %dma_start3A_1003] : memref<16384x1xf32, #tpu.memory_space<hbm>> -> memref<512x1xf32, #tpu.memory_space<hbm>>
      %dma_start3A_1005 = arith.constant 0 : i32
      %dma_start3A_1006 = tpu.memref_slice %arg6[%mul3A_4, %dma_start3A_1005] : memref<16384x1xf32, #tpu.memory_space<hbm>> -> memref<512x1xf32, #tpu.memory_space<hbm>>
      tpu.enqueue_dma source(%arg12 : memref<512x1xf32, #tpu.memory_space<vmem>>) target(%dma_start3A_1006 : memref<512x1xf32, #tpu.memory_space<hbm>>) target_semaphore(%run_scoped3A : memref<!tpu.dma_semaphore, #tpu.memory_space<semaphore_mem>>)
      %dma_wait3A_1007 = arith.constant 0 : i32
      %dma_wait3A_1008 = tpu.memref_slice %arg6[%mul3A_4, %dma_wait3A_1007] : memref<16384x1xf32, #tpu.memory_space<hbm>> -> memref<512x1xf32, #tpu.memory_space<hbm>>
      %dma_wait3A_1009 = arith.constant 0 : i32
      %dma_wait3A_1010 = tpu.memref_slice %arg6[%mul3A_4, %dma_wait3A_1009] : memref<16384x1xf32, #tpu.memory_space<hbm>> -> memref<512x1xf32, #tpu.memory_space<hbm>>
      tpu.wait_dma2 semaphore(%run_scoped3A : memref<!tpu.dma_semaphore, #tpu.memory_space<semaphore_mem>>) src(%arg12 : memref<512x1xf32, #tpu.memory_space<vmem>>) dst(%dma_wait3A_1010 : memref<512x1xf32, #tpu.memory_space<hbm>>)
      tpu.yield
    }) : () -> ()
    %scan3A = arith.constant 0 : i32
    %scan3A_982 = arith.constant 0 : i32
    %scan3A_983 = arith.constant 1984 : i32
    %scan3A_984 = arith.addi %scan3A_982, %scan3A_983 : i32
    %scan3A_985 = arith.constant 1 : i32
    %scan3A_986 = scf.for %scan3A_1003 = %scan3A_982 to %scan3A_984 step %scan3A_985 iter_args(%scan3A_1004 = %scan3A) -> (i32)  : i32 {
      %broadcast_in_dim3A_1005 = arith.constant 0 : i32
      %broadcast_in_dim3A_1006 = vector.broadcast %broadcast_in_dim3A_1005 : i32 to vector<16xi32>
      %mul3A_1007 = arith.constant 16 : i32
      %mul3A_1008 = arith.muli %scan3A_1003, %mul3A_1007 : i32
      %swap3A_1009 = arith.index_cast %mul3A_1008 : i32 to index
      %swap3A_1010 = tpu.vector_load %arg9[%swap3A_1009] {strides = array<i32>} : memref<31744xi32, #tpu.memory_space<vmem>>, vector<16xi32>,
      tpu.vector_store %arg9[%swap3A_1009], %broadcast_in_dim3A_1006 {strides = array<i32>} : memref<31744xi32, #tpu.memory_space<vmem>>, vector<16xi32>,
      %scan3A_1011 = arith.constant 0 : i32
      scf.yield %scan3A_1011 : i32
    }
    %scan3A_987 = arith.constant 1984 : i32
    %broadcast_in_dim3A = arith.constant 1 : i32
    %broadcast_in_dim3A_988 = vector.broadcast %broadcast_in_dim3A : i32 to vector<16xi32>
    %shift_left3A = arith.shli %broadcast_in_dim3A_988, %iota3A : vector<16xi32>
    %scan3A_989 = arith.constant 0 : i32
    %scan3A_990 = arith.constant 0 : i32
    %scan3A_991 = arith.constant 1024 : i32
    %scan3A_992 = arith.addi %scan3A_990, %scan3A_991 : i32
    %scan3A_993 = arith.constant 1 : i32
    %scan3A_994 = scf.for %scan3A_1003 = %scan3A_990 to %scan3A_992 step %scan3A_993 iter_args(%scan3A_1004 = %scan3A_989) -> (i32)  : i32 {
      %mul3A_1005 = arith.constant 16 : i32
      %mul3A_1006 = arith.muli %scan3A_1003, %mul3A_1005 : i32
      %get3A_1007 = arith.index_cast %mul3A_1006 : i32 to index
      %get3A_1008 = tpu.vector_load %arg8[%get3A_1007] {strides = array<i32>} : memref<16384xi32, #tpu.memory_space<vmem>>, vector<16xi32>,
      %ge3A = vector.broadcast %mul3A_2 : i32 to vector<16xi32>
      %ge3A_1009 = arith.cmpi sge, %get3A_1008, %ge3A : vector<16xi32>
      %add3A_1010 = arith.constant 31250 : i32
      %add3A_1011 = arith.addi %mul3A_2, %add3A_1010 : i32
      %lt3A = vector.broadcast %add3A_1011 : i32 to vector<16xi32>
      %lt3A_1012 = arith.cmpi slt, %get3A_1008, %lt3A : vector<16xi32>
      %and3A_1013 = arith.andi %ge3A_1009, %lt3A_1012 : vector<16xi1>
      %sub3A = vector.broadcast %mul3A_2 : i32 to vector<16xi32>
      %sub3A_1014 = arith.subi %get3A_1008, %sub3A : vector<16xi32>
      %jit3A = arith.constant 0 : i32
      %broadcast_in_dim3A_1015 = vector.broadcast %jit3A : i32 to vector<16xi32>
      %select_n3A = arith.select %and3A_1013, %sub3A_1014, %broadcast_in_dim3A_1015 : vector<16xi1>, vector<16xi32>
      %add3A_1016 = arith.constant 1 : i32
      %add3A_1017 = arith.addi %scan3A_1003, %add3A_1016 : i32
      %mul3A_1018 = arith.constant 65536 : i32
      %mul3A_1019 = arith.muli %add3A_1017, %mul3A_1018 : i32
      %broadcast_in_dim3A_1020 = arith.constant 0 : i32
      %broadcast_in_dim3A_1021 = vector.broadcast %broadcast_in_dim3A_1020 : i32 to vector<16xi32>
      %add3A_1022 = vector.broadcast %mul3A_1019 : i32 to vector<16xi32>
      %add3A_1023 = arith.addi %add3A_1022, %broadcast_in_dim3A_1021 : vector<16xi32>
      tpu.vector_store_idx %arg9[%select_n3A], %add3A_1023 masked %and3A_1013 : memref<31744xi32, #tpu.memory_space<vmem>>[vector<16xi32>], vector<16xi32>, vector<16xi1>
      tpu.vector_store_idx %arg9[%select_n3A], %shift_left3A masked %and3A_1013 {add = true} : memref<31744xi32, #tpu.memory_space<vmem>>[vector<16xi32>], vector<16xi32>, vector<16xi1>
      %scan3A_1024 = arith.constant 0 : i32
      scf.yield %scan3A_1024 : i32
    }
    %scan3A_995 = arith.constant 1024 : i32
    %scan3A_996 = arith.constant 0 : i32
    %scan3A_997 = arith.constant 0 : i32
    %scan3A_998 = arith.constant 4 : i32
    %scan3A_999 = arith.addi %scan3A_997, %scan3A_998 : i32
    %scan3A_1000 = arith.constant 1 : i32
    %scan3A_1001 = scf.for %scan3A_1003 = %scan3A_997 to %scan3A_999 step %scan3A_1000 iter_args(%scan3A_1004 = %scan3A_996) -> (i32)  : i32 {
      %mul3A_1005 = arith.constant 7936 : i32
      %mul3A_1006 = arith.muli %scan3A_1003, %mul3A_1005 : i32
      %scan3A_1007 = arith.constant 0 : i32
      %scan3A_1008 = arith.constant 0 : i32
      %scan3A_1009 = arith.constant 496 : i32
      %scan3A_1010 = arith.addi %scan3A_1008, %scan3A_1009 : i32
      %scan3A_1011 = arith.constant 1 : i32
      %scan3A_1012 = scf.for %scan3A_1026 = %scan3A_1008 to %scan3A_1010 step %scan3A_1011 iter_args(%scan3A_1027 = %scan3A_1007) -> (i32)  : i32 {
        %mul3A_1028 = arith.constant 16 : i32
        %mul3A_1029 = arith.muli %scan3A_1026, %mul3A_1028 : i32
        %add3A_1030 = arith.addi %mul3A_1006, %mul3A_1029 : i32
        %get3A_1031 = arith.index_cast %add3A_1030 : i32 to index
        %get3A_1032 = tpu.vector_load %arg9[%get3A_1031] {strides = array<i32>} : memref<31744xi32, #tpu.memory_space<vmem>>, vector<16xi32>,
        %gt3A = arith.constant 0 : i32
        %gt3A_1033 = vector.broadcast %gt3A : i32 to vector<16xi32>
        %gt3A_1034 = arith.cmpi sgt, %get3A_1032, %gt3A_1033 : vector<16xi32>
        %convert_element_type3A = arith.extui %gt3A_1034 : vector<16xi1> to vector<16xi32>
        %broadcast_in_dim3A_1035 = arith.constant true
        %broadcast_in_dim3A_1036 = vector.broadcast %broadcast_in_dim3A_1035 : i1 to vector<16xi1>
        %masked_cumsum3A = tpu.scan <sum>, %convert_element_type3A masked %broadcast_in_dim3A_1036 : vector<16xi32>, vector<16xi1> -> vector<16xi32>
        %add3A_1037 = vector.broadcast %scan3A_1027 : i32 to vector<16xi32>
        %add3A_1038 = arith.addi %add3A_1037, %masked_cumsum3A : vector<16xi32>
        %sub3A = arith.constant 1 : i32
        %sub3A_1039 = vector.broadcast %sub3A : i32 to vector<16xi32>
        %sub3A_1040 = arith.subi %add3A_1038, %sub3A_1039 : vector<16xi32>
        %jit3A = arith.constant 0 : i32
        %broadcast_in_dim3A_1041 = vector.broadcast %jit3A : i32 to vector<16xi32>
        %select_n3A = arith.select %gt3A_1034, %sub3A_1040, %broadcast_in_dim3A_1041 : vector<16xi1>, vector<16xi32>
        %shift_right_arithmetic3A_1042 = arith.constant 7 : i32
        %shift_right_arithmetic3A_1043 = vector.broadcast %shift_right_arithmetic3A_1042 : i32 to vector<16xi32>
        %shift_right_arithmetic3A_1044 = arith.shrsi %select_n3A, %shift_right_arithmetic3A_1043 : vector<16xi32>
        %and3A_1045 = arith.constant 127 : i32
        %and3A_1046 = vector.broadcast %and3A_1045 : i32 to vector<16xi32>
        %and3A_1047 = arith.andi %select_n3A, %and3A_1046 : vector<16xi32>
        %add3A_1048 = arith.addi %mul3A_2, %add3A_1030 : i32
        %add3A_1049 = vector.broadcast %add3A_1048 : i32 to vector<16xi32>
        %add3A_1050 = arith.addi %add3A_1049, %iota3A : vector<16xi32>
        %and3A_1051 = arith.constant 65535 : i32
        %and3A_1052 = vector.broadcast %and3A_1051 : i32 to vector<16xi32>
        %and3A_1053 = arith.andi %get3A_1032, %and3A_1052 : vector<16xi32>
        %convert_element_type3A_1054 = arith.sitofp %and3A_1053 : vector<16xi32> to vector<16xf32>
        %bitcast3A = vector.bitcast %convert_element_type3A_1054 : vector<16xf32> to vector<16xi32>
        %shift_right_arithmetic3A_1055 = arith.constant 23 : i32
        %shift_right_arithmetic3A_1056 = vector.broadcast %shift_right_arithmetic3A_1055 : i32 to vector<16xi32>
        %shift_right_arithmetic3A_1057 = arith.shrsi %bitcast3A, %shift_right_arithmetic3A_1056 : vector<16xi32>
        %sub3A_1058 = arith.constant 127 : i32
        %sub3A_1059 = vector.broadcast %sub3A_1058 : i32 to vector<16xi32>
        %sub3A_1060 = arith.subi %shift_right_arithmetic3A_1057, %sub3A_1059 : vector<16xi32>
        %shift_right_arithmetic3A_1061 = arith.constant 16 : i32
        %shift_right_arithmetic3A_1062 = vector.broadcast %shift_right_arithmetic3A_1061 : i32 to vector<16xi32>
        %shift_right_arithmetic3A_1063 = arith.shrsi %get3A_1032, %shift_right_arithmetic3A_1062 : vector<16xi32>
        %sub3A_1064 = arith.constant 1 : i32
        %sub3A_1065 = vector.broadcast %sub3A_1064 : i32 to vector<16xi32>
        %sub3A_1066 = arith.subi %shift_right_arithmetic3A_1063, %sub3A_1065 : vector<16xi32>
        %mul3A_1067 = arith.constant 16 : i32
        %mul3A_1068 = vector.broadcast %mul3A_1067 : i32 to vector<16xi32>
        %mul3A_1069 = arith.muli %sub3A_1066, %mul3A_1068 : vector<16xi32>
        %add3A_1070 = arith.addi %mul3A_1069, %sub3A_1060 : vector<16xi32>
        %jit3A_1071 = arith.constant 0 : i32
        %jit3A_1072 = arith.constant 16383 : i32
        %max3A = vector.broadcast %jit3A_1071 : i32 to vector<16xi32>
        %max3A_1073 = arith.maxsi %max3A, %add3A_1070 : vector<16xi32>
        %min3A = vector.broadcast %jit3A_1072 : i32 to vector<16xi32>
        %min3A_1074 = arith.minsi %min3A, %max3A_1073 : vector<16xi32>
        tpu.vector_store_idx %arg11[%shift_right_arithmetic3A_1044, %and3A_1047], %add3A_1050 masked %gt3A_1034 : memref<62x128xi32, #tpu.memory_space<vmem>>[vector<16xi32>, vector<16xi32>], vector<16xi32>, vector<16xi1>
        tpu.vector_store_idx %arg10[%shift_right_arithmetic3A_1044, %and3A_1047], %min3A_1074 masked %gt3A_1034 : memref<62x128xi32, #tpu.memory_space<vmem>>[vector<16xi32>, vector<16xi32>], vector<16xi32>, vector<16xi1>
        %reduce_sum3A = arith.constant true
        %reduce_sum3A_1075 = vector.broadcast %reduce_sum3A : i1 to vector<16xi1>
        %reduce_sum3A_1076 = tpu.scan <sum>, %convert_element_type3A masked %reduce_sum3A_1075 : vector<16xi32>, vector<16xi1> -> vector<16xi32>
        %reduce_sum3A_1077 = vector.extract %reduce_sum3A_1076[15] : i32 from vector<16xi32>
        %add3A_1078 = arith.addi %scan3A_1027, %reduce_sum3A_1077 : i32
        scf.yield %add3A_1078 : i32
      }
      %scan3A_1013 = arith.constant 496 : i32
      %add3A_1014 = arith.constant 127 : i32
      %add3A_1015 = arith.addi %scan3A_1012, %add3A_1014 : i32
      %shift_right_arithmetic3A_1016 = arith.constant 7 : i32
      %shift_right_arithmetic3A_1017 = arith.shrsi %add3A_1015, %shift_right_arithmetic3A_1016 : i32
      %scan3A_1018 = arith.constant 0 : i32
      %scan3A_1019 = arith.constant 0 : i32
      %scan3A_1020 = arith.constant 62 : i32
      %scan3A_1021 = arith.addi %scan3A_1019, %scan3A_1020 : i32
      %scan3A_1022 = arith.constant 1 : i32
      %scan3A_1023 = scf.for %scan3A_1026 = %scan3A_1019 to %scan3A_1021 step %scan3A_1022 iter_args(%scan3A_1027 = %scan3A_1018) -> (i32)  : i32 {
        %lt3A = arith.cmpi slt, %scan3A_1026, %shift_right_arithmetic3A_1017 : i32
        %convert_element_type3A = arith.extui %lt3A : i1 to i32
        %cond3A = arith.constant 0 : i32
        %cond3A_1028 = arith.cmpi ne, %convert_element_type3A, %cond3A : i32
        scf.if %cond3A_1028 {
          %mul3A_1030 = arith.constant 128 : i32
          %mul3A_1031 = arith.muli %scan3A_1026, %mul3A_1030 : i32
          %sub3A = arith.subi %scan3A_1012, %mul3A_1031 : i32
          %min3A = arith.constant 128 : i32
          %min3A_1032 = arith.minsi %sub3A, %min3A : i32
          %get3A_1033 = arith.index_cast %scan3A_1026 : i32 to index
          %get3A_1034 = arith.constant 0 : index
          %get3A_1035 = tpu.vector_load %arg10[%get3A_1033, %get3A_1034] {strides = array<i32>} : memref<62x128xi32, #tpu.memory_space<vmem>>, vector<16xi32>,
          %iota3A_1036 = tpu.iota {dimensions = array<i32: 0>} : vector<16xi32>
          %eq3A = arith.constant 0 : i32
          %eq3A_1037 = vector.broadcast %eq3A : i32 to vector<16xi32>
          %eq3A_1038 = arith.cmpi eq, %iota3A_1036, %eq3A_1037 : vector<16xi32>
          %jit3A = arith.constant 0 : i32
          %broadcast_in_dim3A_1039 = vector.broadcast %jit3A : i32 to vector<16xi32>
          %select_n3A = arith.select %eq3A_1038, %get3A_1035, %broadcast_in_dim3A_1039 : vector<16xi1>, vector<16xi32>
          %reduce_sum3A = arith.constant true
          %reduce_sum3A_1040 = vector.broadcast %reduce_sum3A : i1 to vector<16xi1>
          %reduce_sum3A_1041 = tpu.scan <sum>, %select_n3A masked %reduce_sum3A_1040 : vector<16xi32>, vector<16xi1> -> vector<16xi32>
          %reduce_sum3A_1042 = vector.extract %reduce_sum3A_1041[15] : i32 from vector<16xi32>
          %broadcast_in_dim3A_1043 = arith.constant 0 : i32
          %broadcast_in_dim3A_1044 = vector.broadcast %broadcast_in_dim3A_1043 : i32 to vector<16xi32>
          %add3A_1045 = vector.broadcast %reduce_sum3A_1042 : i32 to vector<16xi32>
          %add3A_1046 = arith.addi %add3A_1045, %broadcast_in_dim3A_1044 : vector<16xi32>
          %get3A_1047 = arith.index_cast %scan3A_1026 : i32 to index
          %get3A_1048 = arith.constant 0 : index
          %get3A_1049 = tpu.vector_load %arg11[%get3A_1047, %get3A_1048] {strides = array<i32>} : memref<62x128xi32, #tpu.memory_space<vmem>>, vector<16xi32>,
          %iota3A_1050 = tpu.iota {dimensions = array<i32: 0>} : vector<16xi32>
          %eq3A_1051 = arith.constant 0 : i32
          %eq3A_1052 = vector.broadcast %eq3A_1051 : i32 to vector<16xi32>
          %eq3A_1053 = arith.cmpi eq, %iota3A_1050, %eq3A_1052 : vector<16xi32>
          %jit3A_1054 = arith.constant 0 : i32
          %broadcast_in_dim3A_1055 = vector.broadcast %jit3A_1054 : i32 to vector<16xi32>
          %select_n3A_1056 = arith.select %eq3A_1053, %get3A_1049, %broadcast_in_dim3A_1055 : vector<16xi1>, vector<16xi32>
          %reduce_sum3A_1057 = arith.constant true
          %reduce_sum3A_1058 = vector.broadcast %reduce_sum3A_1057 : i1 to vector<16xi1>
          %reduce_sum3A_1059 = tpu.scan <sum>, %select_n3A_1056 masked %reduce_sum3A_1058 : vector<16xi32>, vector<16xi1> -> vector<16xi32>
          %reduce_sum3A_1060 = vector.extract %reduce_sum3A_1059[15] : i32 from vector<16xi32>
          %broadcast_in_dim3A_1061 = arith.constant 0 : i32
          %broadcast_in_dim3A_1062 = vector.broadcast %broadcast_in_dim3A_1061 : i32 to vector<16xi32>
          %add3A_1063 = vector.broadcast %reduce_sum3A_1060 : i32 to vector<16xi32>
          %add3A_1064 = arith.addi %add3A_1063, %broadcast_in_dim3A_1062 : vector<16xi32>
          %add3A_1065 = arith.constant 0 : i32
          %add3A_1066 = vector.broadcast %add3A_1065 : i32 to vector<16xi32>
          %add3A_1067 = arith.addi %iota3A, %add3A_1066 : vector<16xi32>
          %lt3A_1068 = vector.broadcast %min3A_1032 : i32 to vector<16xi32>
          %lt3A_1069 = arith.cmpi slt, %add3A_1067, %lt3A_1068 : vector<16xi32>
          %get3A_1070 = arith.index_cast %scan3A_1026 : i32 to index
          %get3A_1071 = arith.constant 0 : index
          %get3A_1072 = tpu.vector_load %arg10[%get3A_1070, %get3A_1071] {strides = array<i32>} : memref<62x128xi32, #tpu.memory_space<vmem>>, vector<16xi32>,
          %get3A_1073 = arith.index_cast %scan3A_1026 : i32 to index
          %get3A_1074 = arith.constant 0 : index
          %get3A_1075 = tpu.vector_load %arg11[%get3A_1073, %get3A_1074] {strides = array<i32>} : memref<62x128xi32, #tpu.memory_space<vmem>>, vector<16xi32>,
          %select_n3A_1076 = arith.select %lt3A_1069, %get3A_1072, %add3A_1046 : vector<16xi1>, vector<16xi32>
          %swap3A_1077 = arith.constant 0 : index
          %swap3A_1078 = tpu.vector_load %arg13[%swap3A_1077] {strides = array<i32>} : memref<128xi32, #tpu.memory_space<vmem>>, vector<16xi32>,
          tpu.vector_store %arg13[%swap3A_1077], %select_n3A_1076 {strides = array<i32>} : memref<128xi32, #tpu.memory_space<vmem>>, vector<16xi32>,
          %select_n3A_1079 = arith.select %lt3A_1069, %get3A_1075, %add3A_1064 : vector<16xi1>, vector<16xi32>
          %swap3A_1080 = arith.constant 0 : index
          %swap3A_1081 = tpu.vector_load %arg14[%swap3A_1080] {strides = array<i32>} : memref<128xi32, #tpu.memory_space<vmem>>, vector<16xi32>,
          tpu.vector_store %arg14[%swap3A_1080], %select_n3A_1079 {strides = array<i32>} : memref<128xi32, #tpu.memory_space<vmem>>, vector<16xi32>,
          %add3A_1082 = arith.constant 16 : i32
          %add3A_1083 = vector.broadcast %add3A_1082 : i32 to vector<16xi32>
          %add3A_1084 = arith.addi %iota3A, %add3A_1083 : vector<16xi32>
          %lt3A_1085 = vector.broadcast %min3A_1032 : i32 to vector<16xi32>
          %lt3A_1086 = arith.cmpi slt, %add3A_1084, %lt3A_1085 : vector<16xi32>
          %get3A_1087 = arith.index_cast %scan3A_1026 : i32 to index
          %get3A_1088 = arith.constant 16 : index
          %get3A_1089 = tpu.vector_load %arg10[%get3A_1087, %get3A_1088] {strides = array<i32>} : memref<62x128xi32, #tpu.memory_space<vmem>>, vector<16xi32>,
          %get3A_1090 = arith.index_cast %scan3A_1026 : i32 to index
          %get3A_1091 = arith.constant 16 : index
          %get3A_1092 = tpu.vector_load %arg11[%get3A_1090, %get3A_1091] {strides = array<i32>} : memref<62x128xi32, #tpu.memory_space<vmem>>, vector<16xi32>,
          %select_n3A_1093 = arith.select %lt3A_1086, %get3A_1089, %add3A_1046 : vector<16xi1>, vector<16xi32>
          %swap3A_1094 = arith.constant 16 : index
          %swap3A_1095 = tpu.vector_load %arg13[%swap3A_1094] {strides = array<i32>} : memref<128xi32, #tpu.memory_space<vmem>>, vector<16xi32>,
          tpu.vector_store %arg13[%swap3A_1094], %select_n3A_1093 {strides = array<i32>} : memref<128xi32, #tpu.memory_space<vmem>>, vector<16xi32>,
          %select_n3A_1096 = arith.select %lt3A_1086, %get3A_1092, %add3A_1064 : vector<16xi1>, vector<16xi32>
          %swap3A_1097 = arith.constant 16 : index
          %swap3A_1098 = tpu.vector_load %arg14[%swap3A_1097] {strides = array<i32>} : memref<128xi32, #tpu.memory_space<vmem>>, vector<16xi32>,
          tpu.vector_store %arg14[%swap3A_1097], %select_n3A_1096 {strides = array<i32>} : memref<128xi32, #tpu.memory_space<vmem>>, vector<16xi32>,
          %add3A_1099 = arith.constant 32 : i32
          %add3A_1100 = vector.broadcast %add3A_1099 : i32 to vector<16xi32>
          %add3A_1101 = arith.addi %iota3A, %add3A_1100 : vector<16xi32>
          %lt3A_1102 = vector.broadcast %min3A_1032 : i32 to vector<16xi32>
          %lt3A_1103 = arith.cmpi slt, %add3A_1101, %lt3A_1102 : vector<16xi32>
          %get3A_1104 = arith.index_cast %scan3A_1026 : i32 to index
          %get3A_1105 = arith.constant 32 : index
          %get3A_1106 = tpu.vector_load %arg10[%get3A_1104, %get3A_1105] {strides = array<i32>} : memref<62x128xi32, #tpu.memory_space<vmem>>, vector<16xi32>,
          %get3A_1107 = arith.index_cast %scan3A_1026 : i32 to index
          %get3A_1108 = arith.constant 32 : index
          %get3A_1109 = tpu.vector_load %arg11[%get3A_1107, %get3A_1108] {strides = array<i32>} : memref<62x128xi32, #tpu.memory_space<vmem>>, vector<16xi32>,
          %select_n3A_1110 = arith.select %lt3A_1103, %get3A_1106, %add3A_1046 : vector<16xi1>, vector<16xi32>
          %swap3A_1111 = arith.constant 32 : index
          %swap3A_1112 = tpu.vector_load %arg13[%swap3A_1111] {strides = array<i32>} : memref<128xi32, #tpu.memory_space<vmem>>, vector<16xi32>,
          tpu.vector_store %arg13[%swap3A_1111], %select_n3A_1110 {strides = array<i32>} : memref<128xi32, #tpu.memory_space<vmem>>, vector<16xi32>,
          %select_n3A_1113 = arith.select %lt3A_1103, %get3A_1109, %add3A_1064 : vector<16xi1>, vector<16xi32>
          %swap3A_1114 = arith.constant 32 : index
          %swap3A_1115 = tpu.vector_load %arg14[%swap3A_1114] {strides = array<i32>} : memref<128xi32, #tpu.memory_space<vmem>>, vector<16xi32>,
          tpu.vector_store %arg14[%swap3A_1114], %select_n3A_1113 {strides = array<i32>} : memref<128xi32, #tpu.memory_space<vmem>>, vector<16xi32>,
          %add3A_1116 = arith.constant 48 : i32
          %add3A_1117 = vector.broadcast %add3A_1116 : i32 to vector<16xi32>
          %add3A_1118 = arith.addi %iota3A, %add3A_1117 : vector<16xi32>
          %lt3A_1119 = vector.broadcast %min3A_1032 : i32 to vector<16xi32>
          %lt3A_1120 = arith.cmpi slt, %add3A_1118, %lt3A_1119 : vector<16xi32>
          %get3A_1121 = arith.index_cast %scan3A_1026 : i32 to index
          %get3A_1122 = arith.constant 48 : index
          %get3A_1123 = tpu.vector_load %arg10[%get3A_1121, %get3A_1122] {strides = array<i32>} : memref<62x128xi32, #tpu.memory_space<vmem>>, vector<16xi32>,
          %get3A_1124 = arith.index_cast %scan3A_1026 : i32 to index
          %get3A_1125 = arith.constant 48 : index
          %get3A_1126 = tpu.vector_load %arg11[%get3A_1124, %get3A_1125] {strides = array<i32>} : memref<62x128xi32, #tpu.memory_space<vmem>>, vector<16xi32>,
          %select_n3A_1127 = arith.select %lt3A_1120, %get3A_1123, %add3A_1046 : vector<16xi1>, vector<16xi32>
          %swap3A_1128 = arith.constant 48 : index
          %swap3A_1129 = tpu.vector_load %arg13[%swap3A_1128] {strides = array<i32>} : memref<128xi32, #tpu.memory_space<vmem>>, vector<16xi32>,
          tpu.vector_store %arg13[%swap3A_1128], %select_n3A_1127 {strides = array<i32>} : memref<128xi32, #tpu.memory_space<vmem>>, vector<16xi32>,
          %select_n3A_1130 = arith.select %lt3A_1120, %get3A_1126, %add3A_1064 : vector<16xi1>, vector<16xi32>
          %swap3A_1131 = arith.constant 48 : index
          %swap3A_1132 = tpu.vector_load %arg14[%swap3A_1131] {strides = array<i32>} : memref<128xi32, #tpu.memory_space<vmem>>, vector<16xi32>,
          tpu.vector_store %arg14[%swap3A_1131], %select_n3A_1130 {strides = array<i32>} : memref<128xi32, #tpu.memory_space<vmem>>, vector<16xi32>,
          %add3A_1133 = arith.constant 64 : i32
          %add3A_1134 = vector.broadcast %add3A_1133 : i32 to vector<16xi32>
          %add3A_1135 = arith.addi %iota3A, %add3A_1134 : vector<16xi32>
          %lt3A_1136 = vector.broadcast %min3A_1032 : i32 to vector<16xi32>
          %lt3A_1137 = arith.cmpi slt, %add3A_1135, %lt3A_1136 : vector<16xi32>
          %get3A_1138 = arith.index_cast %scan3A_1026 : i32 to index
          %get3A_1139 = arith.constant 64 : index
          %get3A_1140 = tpu.vector_load %arg10[%get3A_1138, %get3A_1139] {strides = array<i32>} : memref<62x128xi32, #tpu.memory_space<vmem>>, vector<16xi32>,
          %get3A_1141 = arith.index_cast %scan3A_1026 : i32 to index
          %get3A_1142 = arith.constant 64 : index
          %get3A_1143 = tpu.vector_load %arg11[%get3A_1141, %get3A_1142] {strides = array<i32>} : memref<62x128xi32, #tpu.memory_space<vmem>>, vector<16xi32>,
          %select_n3A_1144 = arith.select %lt3A_1137, %get3A_1140, %add3A_1046 : vector<16xi1>, vector<16xi32>
          %swap3A_1145 = arith.constant 64 : index
          %swap3A_1146 = tpu.vector_load %arg13[%swap3A_1145] {strides = array<i32>} : memref<128xi32, #tpu.memory_space<vmem>>, vector<16xi32>,
          tpu.vector_store %arg13[%swap3A_1145], %select_n3A_1144 {strides = array<i32>} : memref<128xi32, #tpu.memory_space<vmem>>, vector<16xi32>,
          %select_n3A_1147 = arith.select %lt3A_1137, %get3A_1143, %add3A_1064 : vector<16xi1>, vector<16xi32>
          %swap3A_1148 = arith.constant 64 : index
          %swap3A_1149 = tpu.vector_load %arg14[%swap3A_1148] {strides = array<i32>} : memref<128xi32, #tpu.memory_space<vmem>>, vector<16xi32>,
          tpu.vector_store %arg14[%swap3A_1148], %select_n3A_1147 {strides = array<i32>} : memref<128xi32, #tpu.memory_space<vmem>>, vector<16xi32>,
          %add3A_1150 = arith.constant 80 : i32
          %add3A_1151 = vector.broadcast %add3A_1150 : i32 to vector<16xi32>
          %add3A_1152 = arith.addi %iota3A, %add3A_1151 : vector<16xi32>
          %lt3A_1153 = vector.broadcast %min3A_1032 : i32 to vector<16xi32>
          %lt3A_1154 = arith.cmpi slt, %add3A_1152, %lt3A_1153 : vector<16xi32>
          %get3A_1155 = arith.index_cast %scan3A_1026 : i32 to index
          %get3A_1156 = arith.constant 80 : index
          %get3A_1157 = tpu.vector_load %arg10[%get3A_1155, %get3A_1156] {strides = array<i32>} : memref<62x128xi32, #tpu.memory_space<vmem>>, vector<16xi32>,
          %get3A_1158 = arith.index_cast %scan3A_1026 : i32 to index
          %get3A_1159 = arith.constant 80 : index
          %get3A_1160 = tpu.vector_load %arg11[%get3A_1158, %get3A_1159] {strides = array<i32>} : memref<62x128xi32, #tpu.memory_space<vmem>>, vector<16xi32>,
          %select_n3A_1161 = arith.select %lt3A_1154, %get3A_1157, %add3A_1046 : vector<16xi1>, vector<16xi32>
          %swap3A_1162 = arith.constant 80 : index
          %swap3A_1163 = tpu.vector_load %arg13[%swap3A_1162] {strides = array<i32>} : memref<128xi32, #tpu.memory_space<vmem>>, vector<16xi32>,
          tpu.vector_store %arg13[%swap3A_1162], %select_n3A_1161 {strides = array<i32>} : memref<128xi32, #tpu.memory_space<vmem>>, vector<16xi32>,
          %select_n3A_1164 = arith.select %lt3A_1154, %get3A_1160, %add3A_1064 : vector<16xi1>, vector<16xi32>
          %swap3A_1165 = arith.constant 80 : index
          %swap3A_1166 = tpu.vector_load %arg14[%swap3A_1165] {strides = array<i32>} : memref<128xi32, #tpu.memory_space<vmem>>, vector<16xi32>,
          tpu.vector_store %arg14[%swap3A_1165], %select_n3A_1164 {strides = array<i32>} : memref<128xi32, #tpu.memory_space<vmem>>, vector<16xi32>,
          %add3A_1167 = arith.constant 96 : i32
          %add3A_1168 = vector.broadcast %add3A_1167 : i32 to vector<16xi32>
          %add3A_1169 = arith.addi %iota3A, %add3A_1168 : vector<16xi32>
          %lt3A_1170 = vector.broadcast %min3A_1032 : i32 to vector<16xi32>
          %lt3A_1171 = arith.cmpi slt, %add3A_1169, %lt3A_1170 : vector<16xi32>
          %get3A_1172 = arith.index_cast %scan3A_1026 : i32 to index
          %get3A_1173 = arith.constant 96 : index
          %get3A_1174 = tpu.vector_load %arg10[%get3A_1172, %get3A_1173] {strides = array<i32>} : memref<62x128xi32, #tpu.memory_space<vmem>>, vector<16xi32>,
          %get3A_1175 = arith.index_cast %scan3A_1026 : i32 to index
          %get3A_1176 = arith.constant 96 : index
          %get3A_1177 = tpu.vector_load %arg11[%get3A_1175, %get3A_1176] {strides = array<i32>} : memref<62x128xi32, #tpu.memory_space<vmem>>, vector<16xi32>,
          %select_n3A_1178 = arith.select %lt3A_1171, %get3A_1174, %add3A_1046 : vector<16xi1>, vector<16xi32>
          %swap3A_1179 = arith.constant 96 : index
          %swap3A_1180 = tpu.vector_load %arg13[%swap3A_1179] {strides = array<i32>} : memref<128xi32, #tpu.memory_space<vmem>>, vector<16xi32>,
          tpu.vector_store %arg13[%swap3A_1179], %select_n3A_1178 {strides = array<i32>} : memref<128xi32, #tpu.memory_space<vmem>>, vector<16xi32>,
          %select_n3A_1181 = arith.select %lt3A_1171, %get3A_1177, %add3A_1064 : vector<16xi1>, vector<16xi32>
          %swap3A_1182 = arith.constant 96 : index
          %swap3A_1183 = tpu.vector_load %arg14[%swap3A_1182] {strides = array<i32>} : memref<128xi32, #tpu.memory_space<vmem>>, vector<16xi32>,
          tpu.vector_store %arg14[%swap3A_1182], %select_n3A_1181 {strides = array<i32>} : memref<128xi32, #tpu.memory_space<vmem>>, vector<16xi32>,
          %add3A_1184 = arith.constant 112 : i32
          %add3A_1185 = vector.broadcast %add3A_1184 : i32 to vector<16xi32>
          %add3A_1186 = arith.addi %iota3A, %add3A_1185 : vector<16xi32>
          %lt3A_1187 = vector.broadcast %min3A_1032 : i32 to vector<16xi32>
          %lt3A_1188 = arith.cmpi slt, %add3A_1186, %lt3A_1187 : vector<16xi32>
          %get3A_1189 = arith.index_cast %scan3A_1026 : i32 to index
          %get3A_1190 = arith.constant 112 : index
          %get3A_1191 = tpu.vector_load %arg10[%get3A_1189, %get3A_1190] {strides = array<i32>} : memref<62x128xi32, #tpu.memory_space<vmem>>, vector<16xi32>,
          %get3A_1192 = arith.index_cast %scan3A_1026 : i32 to index
          %get3A_1193 = arith.constant 112 : index
          %get3A_1194 = tpu.vector_load %arg11[%get3A_1192, %get3A_1193] {strides = array<i32>} : memref<62x128xi32, #tpu.memory_space<vmem>>, vector<16xi32>,
          %select_n3A_1195 = arith.select %lt3A_1188, %get3A_1191, %add3A_1046 : vector<16xi1>, vector<16xi32>
          %swap3A_1196 = arith.constant 112 : index
          %swap3A_1197 = tpu.vector_load %arg13[%swap3A_1196] {strides = array<i32>} : memref<128xi32, #tpu.memory_space<vmem>>, vector<16xi32>,
          tpu.vector_store %arg13[%swap3A_1196], %select_n3A_1195 {strides = array<i32>} : memref<128xi32, #tpu.memory_space<vmem>>, vector<16xi32>,
          %select_n3A_1198 = arith.select %lt3A_1188, %get3A_1194, %add3A_1064 : vector<16xi1>, vector<16xi32>
          %swap3A_1199 = arith.constant 112 : index
          %swap3A_1200 = tpu.vector_load %arg14[%swap3A_1199] {strides = array<i32>} : memref<128xi32, #tpu.memory_space<vmem>>, vector<16xi32>,
          tpu.vector_store %arg14[%swap3A_1199], %select_n3A_1198 {strides = array<i32>} : memref<128xi32, #tpu.memory_space<vmem>>, vector<16xi32>,
          %dma_start3A_1201 = arith.constant 0 : i32
          %dma_start3A_1202 = arith.constant 0 : i32
          %dma_start3A_1203 = tpu.memref_slice %arg3[%dma_start3A_1201, %dma_start3A_1202] : memref<16384x64xf32, #tpu.memory_space<hbm>> -> memref<16384x64xf32, #tpu.memory_space<hbm>>
          tpu.enqueue_indirect_dma source(%dma_start3A_1203 : memref<16384x64xf32, #tpu.memory_space<hbm>>) target(%arg15 : memref<128x64xf32, #tpu.memory_space<vmem>>) offsets(%arg13 : memref<128xi32, #tpu.memory_space<vmem>>) semaphore(%arg17 : memref<!tpu.dma_semaphore, #tpu.memory_space<semaphore_mem>>)
          %dma_wait3A_1204 = arith.constant 0 : i32
          %dma_wait3A_1205 = arith.constant 0 : i32
          %dma_wait3A_1206 = tpu.memref_slice %arg3[%dma_wait3A_1204, %dma_wait3A_1205] : memref<16384x64xf32, #tpu.memory_space<hbm>> -> memref<16384x64xf32, #tpu.memory_space<hbm>>
          tpu.wait_indirect_dma semaphore(%arg17 : memref<!tpu.dma_semaphore, #tpu.memory_space<semaphore_mem>>) src(%dma_wait3A_1206 : memref<16384x64xf32, #tpu.memory_space<hbm>>) dst(%arg15 : memref<128x64xf32, #tpu.memory_space<vmem>>)
          %dma_start3A_1207 = arith.constant 0 : i32
          %dma_start3A_1208 = arith.constant 0 : i32
          %dma_start3A_1209 = tpu.memref_slice %arg5[%dma_start3A_1207, %dma_start3A_1208] : memref<1000000x64xf32, #tpu.memory_space<hbm>> -> memref<1000000x64xf32, #tpu.memory_space<hbm>>
          tpu.enqueue_indirect_dma source(%arg15 : memref<128x64xf32, #tpu.memory_space<vmem>>) target(%dma_start3A_1209 : memref<1000000x64xf32, #tpu.memory_space<hbm>>) offsets(%arg14 : memref<128xi32, #tpu.memory_space<vmem>>) semaphore(%arg17 : memref<!tpu.dma_semaphore, #tpu.memory_space<semaphore_mem>>)
          %dma_wait3A_1210 = arith.constant 0 : i32
          %dma_wait3A_1211 = arith.constant 0 : i32
          %dma_wait3A_1212 = tpu.memref_slice %arg5[%dma_wait3A_1210, %dma_wait3A_1211] : memref<1000000x64xf32, #tpu.memory_space<hbm>> -> memref<1000000x64xf32, #tpu.memory_space<hbm>>
          tpu.wait_indirect_dma semaphore(%arg17 : memref<!tpu.dma_semaphore, #tpu.memory_space<semaphore_mem>>) src(%arg15 : memref<128x64xf32, #tpu.memory_space<vmem>>) dst(%dma_wait3A_1212 : memref<1000000x64xf32, #tpu.memory_space<hbm>>)
        } else {
        }
        %scan3A_1029 = arith.constant 0 : i32
        scf.yield %scan3A_1029 : i32
      }
      %scan3A_1024 = arith.constant 62 : i32
      %scan3A_1025 = arith.constant 0 : i32
      scf.yield %scan3A_1025 : i32
    }
    %scan3A_1002 = arith.constant 4 : i32
    return
  }
}

module attributes {stable_mosaic.version = 14 : i64} {
  func.func @_loss_body(%arg0: i32, %arg1: memref<1x1xf32, #tpu.memory_space<smem>>, %arg2: memref<2048x100xf32, #tpu.memory_space<vmem>>, %arg3: memref<2048x100xf32, #tpu.memory_space<vmem>>, %arg4: memref<2048x64xf32, #tpu.memory_space<vmem>>, %arg5: memref<2048x1xf32, #tpu.memory_space<vmem>>, %arg6: memref<100x64xf32, #tpu.memory_space<vmem>>, %arg7: memref<1x1xf32, #tpu.memory_space<smem>>, %arg8: memref<1x1xf32, #tpu.memory_space<smem>>, %arg9: memref<1x1xf32, #tpu.memory_space<smem>>) attributes {dimension_semantics = [#tpu.dimension_semantics<arbitrary>], iteration_bounds = array<i64: 8>, scalar_prefetch = 0 : i64, scratch_operands = 0 : i64, tpu.core_type = #tpu.core_type<tc>, window_params = [{transform_indices = @transform_0, window_bounds = array<i64: 1, 1>}, {transform_indices = @transform_1, window_bounds = array<i64: 2048, 100>}, {transform_indices = @transform_2, window_bounds = array<i64: 2048, 100>}, {transform_indices = @transform_3, window_bounds = array<i64: 2048, 64>}, {transform_indices = @transform_4, window_bounds = array<i64: 2048, 1>}, {pipeline_mode = #tpu.pipeline_mode<synchronous>, transform_indices = @transform_5, window_bounds = array<i64: 100, 64>}, {transform_indices = @transform_6, window_bounds = array<i64: 1, 1>}, {transform_indices = @transform_7, window_bounds = array<i64: 1, 1>}, {transform_indices = @transform_8, window_bounds = array<i64: 1, 1>}]} {
    %get3A = arith.constant 0 : index
    %get3A_0 = arith.constant 0 : index
    %get3A_1 = memref.load %arg1[%get3A, %get3A_0] : memref<1x1xf32, #tpu.memory_space<smem>>
    %get3A_2 = arith.constant 0 : index
    %get3A_3 = arith.constant 0 : index
    %get3A_4 = vector.load %arg2[%get3A_2, %get3A_3] : memref<2048x100xf32, #tpu.memory_space<vmem>>, vector<2048x100xf32>
    %get3A_5 = arith.constant 0 : index
    %get3A_6 = arith.constant 0 : index
    %get3A_7 = vector.load %arg3[%get3A_5, %get3A_6] : memref<2048x100xf32, #tpu.memory_space<vmem>>, vector<2048x100xf32>
    %get3A_8 = arith.constant 0 : index
    %get3A_9 = arith.constant 0 : index
    %get3A_10 = vector.load %arg4[%get3A_8, %get3A_9] : memref<2048x64xf32, #tpu.memory_space<vmem>>, vector<2048x64xf32>
    %get3A_11 = arith.constant 0 : index
    %get3A_12 = arith.constant 0 : index
    %get3A_13 = vector.load %arg5[%get3A_11, %get3A_12] : memref<2048x1xf32, #tpu.memory_space<vmem>>, vector<2048x1xf32>
    %get3A_14 = arith.constant 0 : index
    %get3A_15 = arith.constant 0 : index
    %get3A_16 = vector.load %arg6[%get3A_14, %get3A_15] : memref<100x64xf32, #tpu.memory_space<vmem>>, vector<100x64xf32>
    %mul3A = arith.mulf %get3A_16, %get3A_16 : vector<100x64xf32>
    %reduce_sum3A = arith.constant dense<0.000000e+00> : vector<100xf32>
    %reduce_sum3A_17 = vector.multi_reduction <add>, %mul3A, %reduce_sum3A [1] : vector<100x64xf32> to vector<100xf32>
    %broadcast_in_dim3A = vector.shape_cast %reduce_sum3A_17 : vector<100xf32> to vector<100x1xf32>
    %sqrt3A = math.sqrt %broadcast_in_dim3A : vector<100x1xf32>
    %add3A = arith.constant 1.000000e-07 : f32
    %add3A_18 = vector.broadcast %add3A : f32 to vector<100x1xf32>
    %add3A_19 = arith.addf %sqrt3A, %add3A_18 : vector<100x1xf32>
    %div3A = vector.broadcast %add3A_19 : vector<100x1xf32> to vector<100x64xf32>
    %div3A_20 = arith.divf %get3A_16, %div3A : vector<100x64xf32>
    %mul3A_21 = arith.mulf %get3A_10, %get3A_10 : vector<2048x64xf32>
    %reduce_sum3A_22 = arith.constant dense<0.000000e+00> : vector<2048xf32>
    %reduce_sum3A_23 = vector.multi_reduction <add>, %mul3A_21, %reduce_sum3A_22 [1] : vector<2048x64xf32> to vector<2048xf32>
    %broadcast_in_dim3A_24 = vector.shape_cast %reduce_sum3A_23 : vector<2048xf32> to vector<2048x1xf32>
    %sqrt3A_25 = math.sqrt %broadcast_in_dim3A_24 : vector<2048x1xf32>
    %add3A_26 = arith.constant 1.000000e-07 : f32
    %add3A_27 = vector.broadcast %add3A_26 : f32 to vector<2048x1xf32>
    %add3A_28 = arith.addf %sqrt3A_25, %add3A_27 : vector<2048x1xf32>
    %div3A_29 = vector.broadcast %add3A_28 : vector<2048x1xf32> to vector<2048x64xf32>
    %div3A_30 = arith.divf %get3A_10, %div3A_29 : vector<2048x64xf32>
    %dot_general3A = arith.constant dense<0.000000e+00> : vector<2048x100xf32>
    %dot_general3A_31 = tpu.matmul %div3A_30, %div3A_20, %dot_general3A {dimension_numbers = #tpu.dot_dimension_numbers<[1], [1], [0], [0], [0, 0, 1, 0], [], []>, transpose_lhs_hint = false} : vector<2048x64xf32>, vector<100x64xf32>, vector<2048x100xf32> -> vector<2048x100xf32>
    %reduce_max3A = arith.constant dense<0xFF800000> : vector<2048xf32>
    %reduce_max3A_32 = vector.multi_reduction <maximumf>, %dot_general3A_31, %reduce_max3A [1] : vector<2048x100xf32> to vector<2048xf32>
    %broadcast_in_dim3A_33 = vector.shape_cast %reduce_max3A_32 : vector<2048xf32> to vector<2048x1xf32>
    %sub3A = vector.broadcast %broadcast_in_dim3A_33 : vector<2048x1xf32> to vector<2048x100xf32>
    %sub3A_34 = arith.subf %dot_general3A_31, %sub3A : vector<2048x100xf32>
    %exp3A = math.exp %sub3A_34 : vector<2048x100xf32>
    %reduce_sum3A_35 = arith.constant dense<0.000000e+00> : vector<2048xf32>
    %reduce_sum3A_36 = vector.multi_reduction <add>, %exp3A, %reduce_sum3A_35 [1] : vector<2048x100xf32> to vector<2048xf32>
    %broadcast_in_dim3A_37 = vector.shape_cast %reduce_sum3A_36 : vector<2048xf32> to vector<2048x1xf32>
    %div3A_38 = vector.broadcast %broadcast_in_dim3A_37 : vector<2048x1xf32> to vector<2048x100xf32>
    %div3A_39 = arith.divf %exp3A, %div3A_38 : vector<2048x100xf32>
    %mul3A_40 = vector.broadcast %get3A_1 : f32 to vector<2048x1xf32>
    %mul3A_41 = arith.mulf %mul3A_40, %get3A_13 : vector<2048x1xf32>
    %mul3A_42 = vector.broadcast %mul3A_41 : vector<2048x1xf32> to vector<2048x100xf32>
    %mul3A_43 = arith.mulf %mul3A_42, %get3A_7 : vector<2048x100xf32>
    %add3A_44 = arith.addf %get3A_4, %mul3A_43 : vector<2048x100xf32>
    %reduce_max3A_45 = arith.constant dense<0xFF800000> : vector<2048xf32>
    %reduce_max3A_46 = vector.multi_reduction <maximumf>, %add3A_44, %reduce_max3A_45 [1] : vector<2048x100xf32> to vector<2048xf32>
    %broadcast_in_dim3A_47 = vector.shape_cast %reduce_max3A_46 : vector<2048xf32> to vector<2048x1xf32>
    %sub3A_48 = vector.broadcast %broadcast_in_dim3A_47 : vector<2048x1xf32> to vector<2048x100xf32>
    %sub3A_49 = arith.subf %add3A_44, %sub3A_48 : vector<2048x100xf32>
    %exp3A_50 = math.exp %sub3A_49 : vector<2048x100xf32>
    %reduce_sum3A_51 = arith.constant dense<0.000000e+00> : vector<2048xf32>
    %reduce_sum3A_52 = vector.multi_reduction <add>, %exp3A_50, %reduce_sum3A_51 [1] : vector<2048x100xf32> to vector<2048xf32>
    %broadcast_in_dim3A_53 = vector.shape_cast %reduce_sum3A_52 : vector<2048xf32> to vector<2048x1xf32>
    %log3A = math.log %broadcast_in_dim3A_53 : vector<2048x1xf32>
    %sub3A_54 = vector.broadcast %broadcast_in_dim3A_47 : vector<2048x1xf32> to vector<2048x100xf32>
    %sub3A_55 = arith.subf %add3A_44, %sub3A_54 : vector<2048x100xf32>
    %sub3A_56 = vector.broadcast %log3A : vector<2048x1xf32> to vector<2048x100xf32>
    %sub3A_57 = arith.subf %sub3A_55, %sub3A_56 : vector<2048x100xf32>
    %mul3A_58 = arith.mulf %div3A_39, %sub3A_57 : vector<2048x100xf32>
    %reduce_sum3A_59 = vector.shape_cast %mul3A_58 : vector<2048x100xf32> to vector<1x2048x100xf32>
    %reduce_sum3A_60 = arith.constant dense<0.000000e+00> : vector<1xf32>
    %reduce_sum3A_61 = vector.multi_reduction <add>, %reduce_sum3A_59, %reduce_sum3A_60 [1, 2] : vector<1x2048x100xf32> to vector<1xf32>
    %reduce_sum3A_62 = vector.shape_cast %reduce_sum3A_61 : vector<1xf32> to vector<1x1x1xf32>
    %reduce_sum3A_63 = vector.extract %reduce_sum3A_62[0, 0, 0] : f32 from vector<1x1x1xf32>
    %neg3A = arith.constant 0.000000e+00 : f32
    %neg3A_64 = arith.subf %neg3A, %reduce_sum3A_63 : f32
    %reduce_max3A_65 = arith.constant dense<0xFF800000> : vector<2048xf32>
    %reduce_max3A_66 = vector.multi_reduction <maximumf>, %get3A_4, %reduce_max3A_65 [1] : vector<2048x100xf32> to vector<2048xf32>
    %broadcast_in_dim3A_67 = vector.shape_cast %reduce_max3A_66 : vector<2048xf32> to vector<2048x1xf32>
    %eq3A = vector.broadcast %broadcast_in_dim3A_67 : vector<2048x1xf32> to vector<2048x100xf32>
    %eq3A_68 = arith.cmpf oeq, %get3A_4, %eq3A : vector<2048x100xf32>
    %convert_element_type3A = arith.extui %eq3A_68 : vector<2048x100xi1> to vector<2048x100xi32>
    %convert_element_type3A_69 = arith.sitofp %convert_element_type3A : vector<2048x100xi32> to vector<2048x100xf32>
    %mul3A_70 = vector.broadcast %get3A_13 : vector<2048x1xf32> to vector<2048x100xf32>
    %mul3A_71 = arith.mulf %mul3A_70, %get3A_7 : vector<2048x100xf32>
    %add3A_72 = arith.addf %convert_element_type3A_69, %mul3A_71 : vector<2048x100xf32>
    %sub3A_73 = arith.subf %add3A_72, %get3A_7 : vector<2048x100xf32>
    %mul3A_74 = arith.mulf %sub3A_73, %sub3A_73 : vector<2048x100xf32>
    %reduce_sum3A_75 = vector.shape_cast %mul3A_74 : vector<2048x100xf32> to vector<1x2048x100xf32>
    %reduce_sum3A_76 = arith.constant dense<0.000000e+00> : vector<1xf32>
    %reduce_sum3A_77 = vector.multi_reduction <add>, %reduce_sum3A_75, %reduce_sum3A_76 [1, 2] : vector<1x2048x100xf32> to vector<1xf32>
    %reduce_sum3A_78 = vector.shape_cast %reduce_sum3A_77 : vector<1xf32> to vector<1x1x1xf32>
    %reduce_sum3A_79 = vector.extract %reduce_sum3A_78[0, 0, 0] : f32 from vector<1x1x1xf32>
    %reduce_max3A_80 = arith.constant dense<0xFF800000> : vector<2048xf32>
    %reduce_max3A_81 = vector.multi_reduction <maximumf>, %get3A_4, %reduce_max3A_80 [1] : vector<2048x100xf32> to vector<2048xf32>
    %broadcast_in_dim3A_82 = vector.shape_cast %reduce_max3A_81 : vector<2048xf32> to vector<2048x1xf32>
    %sub3A_83 = vector.broadcast %broadcast_in_dim3A_82 : vector<2048x1xf32> to vector<2048x100xf32>
    %sub3A_84 = arith.subf %get3A_4, %sub3A_83 : vector<2048x100xf32>
    %exp3A_85 = math.exp %sub3A_84 : vector<2048x100xf32>
    %mul3A_86 = arith.mulf %exp3A_85, %get3A_7 : vector<2048x100xf32>
    %reduce_sum3A_87 = arith.constant dense<0.000000e+00> : vector<2048xf32>
    %reduce_sum3A_88 = vector.multi_reduction <add>, %mul3A_86, %reduce_sum3A_87 [1] : vector<2048x100xf32> to vector<2048xf32>
    %broadcast_in_dim3A_89 = vector.shape_cast %reduce_sum3A_88 : vector<2048xf32> to vector<2048x1xf32>
    %reduce_sum3A_90 = arith.constant dense<0.000000e+00> : vector<2048xf32>
    %reduce_sum3A_91 = vector.multi_reduction <add>, %exp3A_85, %reduce_sum3A_90 [1] : vector<2048x100xf32> to vector<2048xf32>
    %broadcast_in_dim3A_92 = vector.shape_cast %reduce_sum3A_91 : vector<2048xf32> to vector<2048x1xf32>
    %div3A_93 = arith.divf %broadcast_in_dim3A_89, %broadcast_in_dim3A_92 : vector<2048x1xf32>
    %jit3A = arith.constant 1.000000e-07 : f32
    %jit3A_94 = arith.constant 0.99999988 : f32
    %max3A = vector.broadcast %jit3A : f32 to vector<2048x1xf32>
    %max3A_95 = arith.maximumf %max3A, %div3A_93 : vector<2048x1xf32>
    %min3A = vector.broadcast %jit3A_94 : f32 to vector<2048x1xf32>
    %min3A_96 = arith.minimumf %min3A, %max3A_95 : vector<2048x1xf32>
    %jit3A_97 = arith.constant 1.000000e-07 : f32
    %jit3A_98 = arith.constant 0.99999988 : f32
    %max3A_99 = vector.broadcast %jit3A_97 : f32 to vector<2048x1xf32>
    %max3A_100 = arith.maximumf %max3A_99, %get3A_13 : vector<2048x1xf32>
    %min3A_101 = vector.broadcast %jit3A_98 : f32 to vector<2048x1xf32>
    %min3A_102 = arith.minimumf %min3A_101, %max3A_100 : vector<2048x1xf32>
    %add3A_103 = arith.constant 1.000000e+00 : f32
    %add3A_104 = vector.broadcast %add3A_103 : f32 to vector<2048x1xf32>
    %add3A_105 = arith.addf %add3A_104, %min3A_102 : vector<2048x1xf32>
    %div3A_106 = arith.constant 1.000000e+00 : f32
    %div3A_107 = vector.broadcast %div3A_106 : f32 to vector<2048x1xf32>
    %div3A_108 = arith.divf %div3A_107, %add3A_105 : vector<2048x1xf32>
    %jit3A_109 = arith.constant 1.000000e-07 : f32
    %jit3A_110 = arith.constant 0.99999988 : f32
    %max3A_111 = vector.broadcast %jit3A_109 : f32 to vector<2048x1xf32>
    %max3A_112 = arith.maximumf %max3A_111, %div3A_108 : vector<2048x1xf32>
    %min3A_113 = vector.broadcast %jit3A_110 : f32 to vector<2048x1xf32>
    %min3A_114 = arith.minimumf %min3A_113, %max3A_112 : vector<2048x1xf32>
    %log3A_115 = math.log %min3A_96 : vector<2048x1xf32>
    %log3A_116 = math.log %min3A_114 : vector<2048x1xf32>
    %sub3A_117 = arith.subf %log3A_115, %log3A_116 : vector<2048x1xf32>
    %mul3A_118 = arith.mulf %min3A_96, %sub3A_117 : vector<2048x1xf32>
    %sub3A_119 = arith.constant 1.000000e+00 : f32
    %sub3A_120 = vector.broadcast %sub3A_119 : f32 to vector<2048x1xf32>
    %sub3A_121 = arith.subf %sub3A_120, %min3A_96 : vector<2048x1xf32>
    %sub3A_122 = arith.constant 1.000000e+00 : f32
    %sub3A_123 = vector.broadcast %sub3A_122 : f32 to vector<2048x1xf32>
    %sub3A_124 = arith.subf %sub3A_123, %min3A_96 : vector<2048x1xf32>
    %log3A_125 = math.log %sub3A_124 : vector<2048x1xf32>
    %sub3A_126 = arith.constant 1.000000e+00 : f32
    %sub3A_127 = vector.broadcast %sub3A_126 : f32 to vector<2048x1xf32>
    %sub3A_128 = arith.subf %sub3A_127, %min3A_114 : vector<2048x1xf32>
    %log3A_129 = math.log %sub3A_128 : vector<2048x1xf32>
    %sub3A_130 = arith.subf %log3A_125, %log3A_129 : vector<2048x1xf32>
    %mul3A_131 = arith.mulf %sub3A_121, %sub3A_130 : vector<2048x1xf32>
    %add3A_132 = arith.addf %mul3A_118, %mul3A_131 : vector<2048x1xf32>
    %reduce_sum3A_133 = vector.shape_cast %add3A_132 : vector<2048x1xf32> to vector<1x2048x1xf32>
    %reduce_sum3A_134 = arith.constant dense<0.000000e+00> : vector<1xf32>
    %reduce_sum3A_135 = vector.multi_reduction <add>, %reduce_sum3A_133, %reduce_sum3A_134 [1, 2] : vector<1x2048x1xf32> to vector<1xf32>
    %reduce_sum3A_136 = vector.shape_cast %reduce_sum3A_135 : vector<1xf32> to vector<1x1x1xf32>
    %reduce_sum3A_137 = vector.extract %reduce_sum3A_136[0, 0, 0] : f32 from vector<1x1x1xf32>
    %sub3A_138 = arith.constant 1.000000e+00 : f32
    %sub3A_139 = arith.subf %sub3A_138, %get3A_1 : f32
    %mul3A_140 = arith.mulf %reduce_sum3A_137, %sub3A_139 : f32
    %eq3A_141 = arith.constant 0 : i32
    %eq3A_142 = arith.cmpi eq, %arg0, %eq3A_141 : i32
    %convert_element_type3A_143 = arith.extui %eq3A_142 : i1 to i32
    %cond3A = arith.constant 0 : i32
    %cond3A_144 = arith.cmpi ne, %convert_element_type3A_143, %cond3A : i32
    scf.if %cond3A_144 {
      %swap3A_165 = arith.constant 0.000000e+00 : f32
      %swap3A_166 = arith.constant 0 : index
      %swap3A_167 = arith.constant 0 : index
      %swap3A_168 = memref.load %arg7[%swap3A_166, %swap3A_167] : memref<1x1xf32, #tpu.memory_space<smem>>
      memref.store %swap3A_165, %arg7[%swap3A_166, %swap3A_167] : memref<1x1xf32, #tpu.memory_space<smem>>
      %swap3A_169 = arith.constant 0.000000e+00 : f32
      %swap3A_170 = arith.constant 0 : index
      %swap3A_171 = arith.constant 0 : index
      %swap3A_172 = memref.load %arg8[%swap3A_170, %swap3A_171] : memref<1x1xf32, #tpu.memory_space<smem>>
      memref.store %swap3A_169, %arg8[%swap3A_170, %swap3A_171] : memref<1x1xf32, #tpu.memory_space<smem>>
      %swap3A_173 = arith.constant 0.000000e+00 : f32
      %swap3A_174 = arith.constant 0 : index
      %swap3A_175 = arith.constant 0 : index
      %swap3A_176 = memref.load %arg9[%swap3A_174, %swap3A_175] : memref<1x1xf32, #tpu.memory_space<smem>>
      memref.store %swap3A_173, %arg9[%swap3A_174, %swap3A_175] : memref<1x1xf32, #tpu.memory_space<smem>>
    } else {
    }
    %get3A_145 = arith.constant 0 : index
    %get3A_146 = arith.constant 0 : index
    %get3A_147 = memref.load %arg7[%get3A_145, %get3A_146] : memref<1x1xf32, #tpu.memory_space<smem>>
    %add3A_148 = arith.addf %get3A_147, %neg3A_64 : f32
    %swap3A = arith.constant 0 : index
    %swap3A_149 = arith.constant 0 : index
    %swap3A_150 = memref.load %arg7[%swap3A, %swap3A_149] : memref<1x1xf32, #tpu.memory_space<smem>>
    memref.store %add3A_148, %arg7[%swap3A, %swap3A_149] : memref<1x1xf32, #tpu.memory_space<smem>>
    %get3A_151 = arith.constant 0 : index
    %get3A_152 = arith.constant 0 : index
    %get3A_153 = memref.load %arg8[%get3A_151, %get3A_152] : memref<1x1xf32, #tpu.memory_space<smem>>
    %add3A_154 = arith.addf %get3A_153, %reduce_sum3A_79 : f32
    %swap3A_155 = arith.constant 0 : index
    %swap3A_156 = arith.constant 0 : index
    %swap3A_157 = memref.load %arg8[%swap3A_155, %swap3A_156] : memref<1x1xf32, #tpu.memory_space<smem>>
    memref.store %add3A_154, %arg8[%swap3A_155, %swap3A_156] : memref<1x1xf32, #tpu.memory_space<smem>>
    %get3A_158 = arith.constant 0 : index
    %get3A_159 = arith.constant 0 : index
    %get3A_160 = memref.load %arg9[%get3A_158, %get3A_159] : memref<1x1xf32, #tpu.memory_space<smem>>
    %add3A_161 = arith.addf %get3A_160, %mul3A_140 : f32
    %swap3A_162 = arith.constant 0 : index
    %swap3A_163 = arith.constant 0 : index
    %swap3A_164 = memref.load %arg9[%swap3A_162, %swap3A_163] : memref<1x1xf32, #tpu.memory_space<smem>>
    memref.store %add3A_161, %arg9[%swap3A_162, %swap3A_163] : memref<1x1xf32, #tpu.memory_space<smem>>
    return
  }
  func.func @transform_0(%arg0: i32) -> (i32, i32) {
    %c0_i32 = arith.constant 0 : i32
    %c0_i32_0 = arith.constant 0 : i32
    %c0_i32_1 = arith.constant 0 : i32
    return %c0_i32, %c0_i32_0 : i32, i32
  }
  func.func @transform_1(%arg0: i32) -> (i32, i32) {
    %c0_i32 = arith.constant 0 : i32
    %c0_i32_0 = arith.constant 0 : i32
    return %arg0, %c0_i32 : i32, i32
  }
  func.func @transform_2(%arg0: i32) -> (i32, i32) {
    %c0_i32 = arith.constant 0 : i32
    %c0_i32_0 = arith.constant 0 : i32
    return %arg0, %c0_i32 : i32, i32
  }
  func.func @transform_3(%arg0: i32) -> (i32, i32) {
    %c0_i32 = arith.constant 0 : i32
    %c0_i32_0 = arith.constant 0 : i32
    return %arg0, %c0_i32 : i32, i32
  }
  func.func @transform_4(%arg0: i32) -> (i32, i32) {
    %c0_i32 = arith.constant 0 : i32
    %c0_i32_0 = arith.constant 0 : i32
    return %arg0, %c0_i32 : i32, i32
  }
  func.func @transform_5(%arg0: i32) -> (i32, i32) {
    %c0_i32 = arith.constant 0 : i32
    %c0_i32_0 = arith.constant 0 : i32
    %c0_i32_1 = arith.constant 0 : i32
    return %c0_i32, %c0_i32_0 : i32, i32
  }
  func.func @transform_6(%arg0: i32) -> (i32, i32) {
    %c0_i32 = arith.constant 0 : i32
    %c0_i32_0 = arith.constant 0 : i32
    %c0_i32_1 = arith.constant 0 : i32
    return %c0_i32, %c0_i32_0 : i32, i32
  }
  func.func @transform_7(%arg0: i32) -> (i32, i32) {
    %c0_i32 = arith.constant 0 : i32
    %c0_i32_0 = arith.constant 0 : i32
    %c0_i32_1 = arith.constant 0 : i32
    return %c0_i32, %c0_i32_0 : i32, i32
  }
  func.func @transform_8(%arg0: i32) -> (i32, i32) {
    %c0_i32 = arith.constant 0 : i32
    %c0_i32_0 = arith.constant 0 : i32
    %c0_i32_1 = arith.constant 0 : i32
    return %c0_i32, %c0_i32_0 : i32, i32
  }
}

</mosaic_0001>

<sc_bundles>
// kernel: kernel.4.cloned.1.call-start
scs
__scs_entry_jumppad:
0x0: {  	(pc) =	sbr.rel $0x88, $3  }
0x1: {  	(tag) =	ssettag $0x0;
	lr =	simm.s32 $0x1  }
0x2: {  	[smem:$0x3F99] =	sst lr;
	_ =	strace $0xD0000000  }
0x3: {  	_ = 	snop  }
0x4: {  	_ = 	snop  }
0x5: {  	_ = 	snop  }
0x6: {  	_ = 	snop  }
0x7: {  	_ = 	snop  }
__scs_overlays_trampoline_lowered:
0x8: {  	[smem:$0x3FA8] =	sst s0  }
0x9: {  	[smem:$0x3FA9] =	sst s1  }
0xa: {  	[smem:$0x3FAA] =	sst s2  }
0xb: {  	[smem:$0x3FAB] =	sst s3  }
0xc: {  	[smem:$0x3FAC] =	sst s4  }
0xd: {  	[smem:$0x3FAD] =	sst s5  }
0xe: {  	[smem:$0x3FAE] =	sst s6  }
0xf: {  	[smem:$0x3FAF] =	sst s7  }
0x10: {  	[smem:$0x3FB0] =	sst s8  }
0x11: {  	[smem:$0x3FB1] =	sst s9;
	s0 =	simm.s32 @!p0 $0x0  }
0x12: {  	s1 =	sld [smem:$0x3F97];
	s0 =	simm.s32 @p0 $0x1  }
0x13: {  	[smem:$0x3FB2] =	sst s0;
	s0 =	simm.s32 @!p1 $0x0  }
0x14: {  	s2 =	sld [smem:$0x3F96];
	s0 =	simm.s32 @p1 $0x1  }
0x15: {  	[smem:$0x3FB3] =	sst s0;
	s0 =	simm.s32 @!p2 $0x0  }
0x16: {  	s3 =	sld [smem:$0x3FDB];
	s0 =	simm.s32 @p2 $0x1  }
0x17: {  	s4 =	simm.s32 $0x1BF5;
	[smem:$0x3FB5] =	sst s0  }
0x18: {  	s0 =	sld [smem:$0x3F98];
	_ =	swait.ge [sflag:s4], $0x0  }
0x19: {  	s7 =	sld [smem:$0x3F99]  }
0x1a: {  	s8 =	sadd.s32 $0xFFFFE003, lr  }
0x1b: {  	s9 =	sadd.s32 $0xFFFFFEF7, lr;
	s5 =	simm.s32 $0xFFFFFFFF;
	p2 =	slt.u32 s8, $0xFFFFF086  }
0x1c: {  	p1 =	slt.u32 s9, $0xF7A;
	s5 =	simm.s32 @!p2 $0x0  }
0x1d: {  	s5 =	simm.s32 @p1 $0x1;
	p0 =	seq.s32 s7, s2  }
0x1e: {  	s7 =	smul.u32 @!p0 $0xF7A, s2;
	p2 =	seq.s32 @!p0 s5, $0x0  }
0x1f: {  	s9 =	smul.u32 $0xF7A, s1;
	s8 =	simm.s32 @!p0 $0x1BF5;
	p2 =	por !p2, p0  }
0x20: {  	[sflag:s8] =	ssyncset.s32 @!p0 $0xFFFFF086;
	s6 =	sadd.s32 @!p0 s3, s7;
	s7 =	simm.s32 @!p0 $0x108  }
0x21: {  	s3 =	sadd.s32 s3, s9;
	s6 =	sadd.s32 @!p0 $0x88, s6;
	s7 =	simm.s32 @p2 $0x1082  }
0x22: {  	[simem:s7], [sflag:s8] =	dma.local @!p0 [hbm:s6], $0xF7A  }
0x23: {  	s9 =	sor.u32 $0xD0000000, s2;
	s6 =	simm.s32 $0x108;
	_ =	swait.ge @!p0 [sflag:s8], $0x0  }
0x24: {  	s3 =	sadd.s32 $0x88, s3;
	s6 =	simm.s32 @!p1 $0x1082;
	[sflag:s4] =	ssyncset.s32 $0xFFFFF086  }
0x25: {  	[simem:s6], [sflag:s4] =	dma.local [hbm:s3], $0xF7A  }
0x26: {  	[smem:$0x3F99] =	sst s1;
	(tag) =	ssettag s2;
	_ =	strace s9  }
0x27: {  	s1 =	sld [smem:$0x3FA9]  }
0x28: {  	s2 =	sld [smem:$0x3FAA]  }
0x29: {  	s4 =	sld [smem:$0x3FAC]  }
0x2a: {  	p0 =	seq.s32 s5, $0x0;
	s5 =	sld [smem:$0x3FAD]  }
0x2b: {  	s6 =	sld [smem:$0x3FAE]  }
0x2c: {  	s7 =	sld [smem:$0x3FAF]  }
0x2d: {  	s3 =	simm.s32 $0x108;
	s8 =	sld [smem:$0x3FB0]  }
0x2e: {  	s3 =	simm.s32 @!p0 $0x1082;
	s9 =	sld [smem:$0x3FB1]  }
0x2f: {  	lr =	sadd.s32 s0, s3;
	s0 =	sld [smem:$0x3FA8]  }
0x30: {  	s3 =	sld [smem:$0x3FAB]  }
0x31: {  	[smem:$0x3FB4] =	sst s10  }
0x32: {  	s10 =	sld [smem:$0x3FB2];
	_ =	sdelay $0x3  }
0x33: {  	p0 =	seq.s32 s10, $0x1;
	s10 =	sld [smem:$0x3FB4];
	_ =	sdelay $0x3  }
0x34: {  	[smem:$0x3FB4] =	sst s10  }
0x35: {  	s10 =	sld [smem:$0x3FB3];
	_ =	sdelay $0x3  }
0x36: {  	p1 =	seq.s32 s10, $0x1;
	s10 =	sld [smem:$0x3FB4];
	_ =	sdelay $0x3  }
0x37: {  	[smem:$0x3FB4] =	sst s10  }
0x38: {  	s10 =	sld [smem:$0x3FB5]  }
0x39: {  	_ = 	snop;
	(pc) =	sbr.ind lr, $3  }
0x3a: {  	_ = 	snop  }
0x3b: {  	_ = 	snop  }
0x3c: {  	p2 =	seq.s32 s10, $0x1;
	s10 =	sld [smem:$0x3FB4]  }
0x3d: {  	_ =	shalt  }
0x3e: {  	_ =	shalt  }
0x3f: {  	_ =	shalt  }
0x40: {  	_ =	shalt  }
0x41: {  	_ =	shalt  }
0x42: {  	_ =	shalt  }
0x43: {  	_ =	shalt  }
0x44: {  	_ =	shalt  }
0x45: {  	_ =	shalt  }
0x46: {  	_ =	shalt  }
0x47: {  	_ =	shalt  }
0x48: {  	_ =	shalt  }
0x49: {  	_ =	shalt  }
0x4a: {  	_ =	shalt  }
0x4b: {  	_ =	shalt  }
0x4c: {  	_ =	shalt  }
0x4d: {  	_ =	shalt  }
0x4e: {  	_ =	shalt  }
0x4f: {  	_ =	shalt  }
0x50: {  	_ =	shalt  }
0x51: {  	_ =	shalt  }
0x52: {  	_ =	shalt  }
0x53: {  	_ =	shalt  }
0x54: {  	_ =	shalt  }
0x55: {  	_ =	shalt  }
0x56: {  	_ =	shalt  }
0x57: {  	_ =	shalt  }
0x58: {  	_ =	shalt  }
0x59: {  	_ =	shalt  }
0x5a: {  	_ =	shalt  }
0x5b: {  	_ =	shalt  }
0x5c: {  	_ =	shalt  }
0x5d: {  	_ =	shalt  }
0x5e: {  	_ =	shalt  }
0x5f: {  	_ =	shalt  }
0x60: {  	_ =	shalt  }
0x61: {  	_ =	shalt  }
0x62: {  	_ =	shalt  }
0x63: {  	_ =	shalt  }
0x64: {  	_ =	shalt  }
0x65: {  	_ =	shalt  }
0x66: {  	_ =	shalt  }
0x67: {  	_ =	shalt  }
0x68: {  	_ =	shalt  }
0x69: {  	_ =	shalt  }
0x6a: {  	_ =	shalt  }
0x6b: {  	_ =	shalt  }
0x6c: {  	_ =	shalt  }
0x6d: {  	_ =	shalt  }
0x6e: {  	_ =	shalt  }
0x6f: {  	_ =	shalt  }
0x70: {  	_ =	shalt  }
0x71: {  	_ =	shalt  }
0x72: {  	_ =	shalt  }
0x73: {  	_ =	shalt  }
0x74: {  	_ =	shalt  }
0x75: {  	_ =	shalt  }
0x76: {  	_ =	shalt  }
0x77: {  	_ =	shalt  }
0x78: {  	_ =	shalt  }
0x79: {  	_ =	shalt  }
0x7a: {  	_ =	shalt  }
0x7b: {  	_ =	shalt  }
0x7c: {  	_ =	shalt  }
0x7d: {  	_ =	shalt  }
0x7e: {  	_ =	shalt  }
0x7f: {  	_ =	shalt  }
0x80: {  	_ =	shalt  }
0x81: {  	_ =	shalt  }
0x82: {  	_ =	shalt  }
0x83: {  	_ =	shalt  }
0x84: {  	_ =	shalt  }
0x85: {  	_ =	shalt  }
0x86: {  	_ =	shalt  }
0x87: {  	_ =	shalt  }
.Lfunc_end0:
.L_simem_size_0:
called_computation.1_lowered:
.L_overlay_start_0:
0x88: {  	s2 =	sld [smem:$0x3FD9]  }
0x89: {  	s3 =	sld [smem:$0x3FFE];
	_ =	sdelay $0x1  }
0x8a: {  	s1 =	srdreg.scid  }
0x8b: {  	s0 =	sand.u32 $0x1, s1  }
0x8c: {  	s14 =	sshll.u32 s0, $0xA;
	s2 =	sadd.s32 s3, s2  }
0x8d: {  	s2 =	sadd.s32 s2, s14  }
0x8e: {  	[smem:$0x3FC0] =	sst s2  }
0x8f: {  	_ = 	snop  }
0x90: {  	s2 =	sld [smem:$0x3FD0];
	_ =	sdelay $0x2  }
0x91: {  	s4 =	simm.s32 $0xA;
	s5 =	simm.s32 $0x10;
	s15 =	sld [smem:$0x3FC9]  }
0x92: {  	[smem:s5], [sflag:s4] =	dma.local [hbm:s2], $0x1  }
0x93: {  	_ =	swait.eq [sflag:s4], $0x1  }
0x94: {  	[sflag:s4] =	ssyncset.done $0x0  }
0x95: {  	[sflag:s4] =	ssyncadd.s32 $0xFFFFFFFF  }
0x96: {  	s16 =	sld [smem:$0x11];
	(tm) =	ssettm $0x1  }
0x97: {  	s17 =	sld [smem:$0x3FFB];
	_ =	sdelay $0x3  }
0x98: {  	_ =	strace s17  }
0x99: {  	s4 =	sld [smem:$0x3FFC];
	_ =	sdelay $0x3  }
0x9a: {  	_ =	strace s4  }
0x9b: {  	s4 =	sld [smem:$0x3FFD];
	_ =	sdelay $0x3  }
0x9c: {  	_ =	strace s4  }
0x9d: {  	_ =	strace $0x8FFFFFFF  }
0x9e: {  	s18 =	sld [smem:$0x3FDB];
	_ =	sdelay $0x1  }
0x9f: {  	s19 =	simm.s32 $_scs_section_size  }
0xa0: {  	s6 =	simm.s32 $_size__tile_overlayer_lowered;
	s7 =	simm.s32 $_tile_overlayer_lowered  }
0xa1: {  	s22 =	simm.s32 $0x1BFF;
	s21 =	sshll.u32 s7, $0x1;
	s4 =	sadd.s32 s19, s18  }
0xa2: {  	s8 =	simm.s32 $0x0;
	s20 =	sshll.u32 s6, $0x1;
	s6 =	sadd.s32 s21, s4  }
0xa3: {  	[timem:s8], [sflag:s22] =	dma.local [hbm:s6], s20  }
0xa4: {  	_ =	swait.ge [sflag:s22], s20  }
0xa5: {  	s5 =	ssub.s32 $0x0, s20;
	[sflag:s22] =	ssyncset.done $0x0  }
0xa6: {  	[sflag:s22] =	ssyncadd.s32 s5;
	_ =	sdelay $0x1  }
0xa7: {  	s23 =	simm.s32 $0x1B8B  }
0xa8: {  	_ =	swait.ge [sflag:s23], $0x1  }
0xa9: {  	[sflag:s23] =	ssyncset.done $0x0  }
0xaa: {  	s25 =	simm.s32 $0x1B8E;
	s24 =	sld [smem:$0x3FFE];
	[sflag:s23] =	ssyncadd.s32 $0xFFFFFFFF  }
0xab: {  	s26 =	simm.s32 $execute0_lowered;
	[smem:$0x3FD2] =	sst s25  }
0xac: {  	s6 =	sshll.u32 s26, $0x1;
	_ =	strace $0x80000046;
	[dreg:$0x1] =	wrdreg $0xFFFFFFFF  }
0xad: {  	s28 =	simm.s32 $_size_execute0_lowered;
	s4 =	sadd.s32 s4, s6;
	[dreg:$0x0] =	wrdreg $0x0  }
0xae: {  	s6 =	sshll.u32 s28, $0x1;
	[dreg:$0x2] =	wrdreg s4  }
0xaf: {  	[dreg:$0x3] =	wrdreg s6  }
0xb0: {  	[dreg:$0x4] =	wrdreg $0xC0  }
0xb1: {  	_ =	task [dreg:s8], $0x5FFFF  }
0xb2: {  	[dreg:$0x1] =	wrdreg $0xFFFFFFFF  }
0xb3: {  	[dreg:$0x0] =	wrdreg $0x60  }
0xb4: {  	[dreg:$0x2] =	wrdreg s15  }
0xb5: {  	[dreg:$0x3] =	wrdreg s24  }
0xb6: {  	[dreg:$0x4] =	wrdreg s16  }
0xb7: {  	[dreg:$0x5] =	wrdreg $0x9  }
0xb8: {  	_ =	task.clear_ibuf [dreg:s8], $0x6FFFF;
	_ =	strace $0x90000046  }
0xb9: {  	s29 =	simm.s32 $0x9;
	_ =	strace $0x80000048  }
0xba: {  	_ =	swait.ge [sflag:s29], $0x1  }
0xbb: {  	[sflag:s29] =	ssyncadd.s32 $0xFFFFFFFF  }
0xbc: {  	_ =	strace $0x90000048  }
0xbd: {  	_ =	sfence  }
0xbe: {  	s30 =	sld [smem:$0x0];
	_ =	sdelay $0x2  }
0xbf: {  	s31 =	sshll.u32 s1, $0xD;
	s1 =	sshrl.u32 s1, $0x2  }
0xc0: {  	s3 =	sand.u32 $0x4000, s31;
	s1 =	sadd.s32 s1, s30  }
0xc1: {  	s0 =	sor.u32 s3, s0;
	s1 =	sshll.u32 s1, $0x11  }
0xc2: {  	s0 =	sor.u32 s1, s0  }
0xc3: {  	s0 =	sadd.s32 $0x8F2B, s0  }
0xc4: {  	[sflag:s0] =	ssyncadd.remote.s32 $0x1  }
0xc5: {  	_ =	sfence.sel $0xFFFF  }
0xc6: {  	[dreg:$0x0] =	wrdreg $0xFFFFFFFF;
	(pc) =	sbr.abs _section_cstart, $3  }
0xc7: {  	[dreg:$0x1] =	wrdreg $0xFFFFFFFF  }
0xc8: {  	_ =	task.clear_ibuf [dreg:s8], $0x2FFFF;
	_ =	strace $0x9FFFFFFF  }
0xc9: {  	(tm) =	ssettm $0x7FFFFFFF  }
tec
execute0_lowered:
.L_overlay_start_1:
0x0: {  	(tag) =	ssettag $0x1  }
0x1: {  	v0 =	vlaneseq.u32;
	v35 =	vimm.s32 $0x8040201;
	v36 =	vimm.s32 $0x80402010  }
0x2: {  	vm0 =	vcmask $0xF00;
	v1 =	vmul.u32 $0x10, v0;
	v2 =	vmul.u32 $0x8, v0  }
0x3: {  	v37 =	vunpack.c.0.s8.s32 v35;
	v38 =	vunpack.c.0.s8.s32 v36;
	v45 =	vor.u32 $0x10, v0  }
0x4: {  	v46 =	vor.u32 $0x20, v0;
	v47 =	vor.u32 $0x30, v0;
	v48 =	vor.u32 $0x40, v0  }
0x5: {  	v49 =	vor.u32 $0x50, v0;
	v50 =	vor.u32 $0x60, v0;
	v51 =	vor.u32 $0x70, v0  }
0x6: {  	v5 =	vor.u32 $0x100, v1;
	v6 =	vor.u32 $0x80, v2;
	v7 =	vor.u32 $0x200, v1  }
0x7: {  	v8 =	vor.u32 $0x100, v2;
	v9 =	vor.u32 $0x300, v1;
	v10 =	vor.u32 $0x180, v2  }
0x8: {  	v11 =	vor.u32 $0x400, v1;
	v12 =	vor.u32 $0x200, v2;
	v13 =	vor.u32 $0x500, v1  }
0x9: {  	v14 =	vor.u32 $0x280, v2;
	v15 =	vor.u32 $0x600, v1;
	v16 =	vor.u32 $0x300, v2  }
0xa: {  	v17 =	vor.u32 $0x700, v1;
	v18 =	vor.u32 $0x380, v2;
	v19 =	vor.u32 $0x400, v2  }
0xb: {  	v20 =	vor.u32 $0x480, v2;
	v21 =	vor.u32 $0x500, v2;
	v22 =	vor.u32 $0x580, v2  }
0xc: {  	v23 =	vor.u32 $0x600, v2;
	v24 =	vor.u32 $0x680, v2;
	v25 =	vor.u32 $0x700, v2  }
0xd: {  	s1 =	srdreg.scid;
	s8 =	rddreg [dreg:$0x1];
	v26 =	vor.u32 $0x780, v2;
	v27 =	vor.u32 $0x800, v2;
	v28 =	vor.u32 $0x880, v2  }
0xe: {  	s0 =	stileid.u32;
	s3 =	rddreg [dreg:$0x2];
	s4 =	simm.s32 $0x0;
	v29 =	vor.u32 $0x900, v2;
	v30 =	vor.u32 $0x980, v2;
	v31 =	vor.u32 $0xA00, v2  }
0xf: {  	s13 =	simm.s32 $0x10A00;
	s7 =	sand.u32 $0x1, s1;
	s30 =	sshll.u32 s0, $0x1;
	v32 =	vor.u32 $0xA80, v2;
	v33 =	vor.u32 $0xB00, v2;
	v34 =	vor.u32 $0xB80, v2  }
0x10: {  	s14 =	simm.s32 $0x12B00;
	s15 =	simm.s32 $0x1;
	s6 =	sor.u32 s7, s30;
	v35 =	vor.u32 $0xC00, v2;
	v36 =	vor.u32 $0xC80, v2;
	v39 =	vnsel vm0, $0x8000, v37  }
0x11: {  	s16 =	simm.s32 $0xFA00;
	s17 =	simm.s32 $0xDB00;
	s1 =	smul.u32 $0x7A12, s6;
	v38 =	vand.u32 $0xFF, v38;
	vm0 =	vcmask $0x1F10;
	v37 =	vor.u32 $0xD00, v2  }
0x12: {  	s18 =	simm.s32 $0xBC00;
	s19 =	simm.s32 $0x10B00;
	s20 =	simm.s32 $0x10A80;
	v39 =	vsel vm0, v38, v39;
	vm0 =	vcmask $0x2320;
	v38 =	vor.u32 $0xD80, v2  }
0x13: {  	s21 =	simm.s32 $0x0;
	[smem:$0x7FF] =	sst s4;
	s11 =	smul.u32 $0xF424, s0;
	v3 =	vmov s1;
	v40 =	vsel vm0, $0x100, v39;
	vm0 =	vcmask $0x2724  }
0x14: {  	s5 =	sadd.s32 $0x41600, s8;
	s31 =	smul.u32 $0x7A12, s7;
	s2 =	sadd.s32 $0x7A12, s1;
	v39 =	vor.u32 $0xE00, v2;
	v41 =	vsel vm0, $0x200, v40;
	vm0 =	vcmask $0x2B28  }
.Ltmp0:
0x15: {  	s9 =	ssub.s32 $0x2, s7;
	s6 =	sshll.u32 s6, $0x9;
	v4 =	vmov s2;
	v42 =	vsel vm0, $0x400, v41;
	vm0 =	vcmask $0x2F2C;
	(pc) =	sbr.rel .LBB2_1-.Ltmp0, $4  }
0x16: {  	s7 =	sadd.s32 $0x61600, s8;
	s10 =	sshrl.u32 s9, $0x1;
	s12 =	sadd.s32 s6, s8;
	v40 =	vor.u32 $0xE80, v2;
	v43 =	vsel vm0, $0x800, v42;
	vm0 =	vcmask $0x3330  }
0x17: {  	s9 =	ssub.s32 s9, s10;
	s10 =	sadd.s32 s31, s11;
	s11 =	simm.s32 $0x2;
	v41 =	vor.u32 $0xF00, v2;
	v44 =	vsel vm0, $0x1000, v43;
	vm0 =	vcmask $0x3734  }
0x18: {  	s1 =	rddreg [dreg:$0x0];
	s8 =	sadd.s32 $0x80000, s12;
	s9 =	smax.u32 s9, $0x1;
	v42 =	vor.u32 $0xF80, v2;
	v44 =	vsel vm0, $0x2000, v44;
	vm0 =	vcmask $0x3B38  }
0x19: {  	s12 =	simm.s32 $0x80;
	s2 =	rddreg [dreg:$0x3];
	_ =	strace $0x80000047;
	v43 =	vimm.s32 $0x0;
	v44 =	vsel vm0, $0x4000, v44;
	vm0 =	vmmov $0x1  }
.LBB2_13:
0x1a: {  	s21 =	sadd.s32 $0x1, s21  }
0x1b: {  	p0 =	sne.s32 s21, s9  }
.Ltmp1:
0x1c: {  	_ = 	snop;
	(pc) =	sbr.rel @!p0 .LBB2_14-.Ltmp1, $1  }
0x1d: {  	_ =	sdelay $0x3  }
.LBB2_1:
0x1e: {  	[tilespmem:s4], [sflag:$0x2] =	stream.linear.gather [hbm4b:s1+s4], $0x4000, $0x38;
	[tilespmem:$0x13300] =	vst v63  }
0x1f: {  	_ =	swait.ge [sflag:s11], $0x4000  }
0x20: {  	[sflag:s11] =	ssyncset.done $0x0  }
0x21: {  	[sflag:s11] =	ssyncadd.s32 $0xFFFFC000  }
0x22: {  	v52 =	vld [tilespmem:s6+$0x0];
	_ =	sdelay $0x4  }
0x23: {  	v52 =	vshra.s32 v52, $0x4  }
0x24: {  	[tilespmem:$0x10A00] =	vst v52  }
0x25: {  	v52 =	vld [tilespmem:s6+$0x10];
	_ =	sdelay $0x4  }
0x26: {  	v52 =	vshra.s32 v52, $0x4  }
0x27: {  	[tilespmem:$0x10A10] =	vst v52  }
0x28: {  	v52 =	vld [tilespmem:s6+$0x20];
	_ =	sdelay $0x4  }
0x29: {  	v52 =	vshra.s32 v52, $0x4  }
0x2a: {  	[tilespmem:$0x10A20] =	vst v52  }
0x2b: {  	v52 =	vld [tilespmem:s6+$0x30];
	_ =	sdelay $0x4  }
0x2c: {  	v52 =	vshra.s32 v52, $0x4  }
0x2d: {  	[tilespmem:$0x10A30] =	vst v52  }
0x2e: {  	v52 =	vld [tilespmem:s6+$0x40];
	_ =	sdelay $0x4  }
0x2f: {  	v52 =	vshra.s32 v52, $0x4  }
0x30: {  	[tilespmem:$0x10A40] =	vst v52  }
0x31: {  	v52 =	vld [tilespmem:s6+$0x50];
	_ =	sdelay $0x4  }
0x32: {  	v52 =	vshra.s32 v52, $0x4  }
0x33: {  	[tilespmem:$0x10A50] =	vst v52  }
0x34: {  	v52 =	vld [tilespmem:s6+$0x60];
	_ =	sdelay $0x4  }
0x35: {  	v52 =	vshra.s32 v52, $0x4  }
0x36: {  	[tilespmem:$0x10A60] =	vst v52  }
0x37: {  	v52 =	vld [tilespmem:s6+$0x70];
	_ =	sdelay $0x4  }
0x38: {  	v52 =	vshra.s32 v52, $0x4  }
0x39: {  	[tilespmem:$0x10A70] =	vst v52  }
0x3a: {  	[tilespmem:s14], [sflag:$0x1] =	stream.indirect.gather [hbm4b:s7+s12], $0x10, s13, s12, $0xb8;
	[tilespmem:$0x13300] =	vst v63  }
0x3b: {  	_ =	swait.ge [sflag:s15], $0x800  }
0x3c: {  	[sflag:s15] =	ssyncset.done $0x0  }
0x3d: {  	[sflag:s15] =	ssyncadd.s32 $0xFFFFF800  }
0x3e: {  	v60 =	vld [tilespmem:s6+$0x0];
	_ =	sdelay $0x4  }
0x3f: {  	v52 =	vand.u32 $0xF, v60  }
0x40: {  	v52 =	vor.u32 v1, v52;
	_ =	sdelay $0x4  }
0x41: {  	v52 =	vld.idx.msk [tilespmem:v52+s14+$0x0], $0xffff;
	_ =	sdelay $0x4  }
0x42: {  	[tilespmem:v2+s16+$0x0] =	vst.idx.msk $0xffff, v52  }
0x43: {  	v52 =	vld [tilespmem:s6+$0x10];
	_ =	sdelay $0x4  }
0x44: {  	v52 =	vand.u32 $0xF, v52  }
0x45: {  	v52 =	vor.u32 v5, v52;
	_ =	sdelay $0x4  }
0x46: {  	v52 =	vld.idx.msk [tilespmem:v52+s14+$0x0], $0xffff;
	_ =	sdelay $0x4  }
0x47: {  	[tilespmem:v6+s16+$0x0] =	vst.idx.msk $0xffff, v52  }
0x48: {  	v52 =	vld [tilespmem:s6+$0x20];
	_ =	sdelay $0x4  }
0x49: {  	v52 =	vand.u32 $0xF, v52  }
0x4a: {  	v52 =	vor.u32 v7, v52;
	_ =	sdelay $0x4  }
0x4b: {  	v52 =	vld.idx.msk [tilespmem:v52+s14+$0x0], $0xffff;
	_ =	sdelay $0x4  }
0x4c: {  	[tilespmem:v8+s16+$0x0] =	vst.idx.msk $0xffff, v52  }
0x4d: {  	v52 =	vld [tilespmem:s6+$0x30];
	_ =	sdelay $0x4  }
0x4e: {  	v52 =	vand.u32 $0xF, v52  }
0x4f: {  	v52 =	vor.u32 v9, v52;
	_ =	sdelay $0x4  }
0x50: {  	v52 =	vld.idx.msk [tilespmem:v52+s14+$0x0], $0xffff;
	_ =	sdelay $0x4  }
0x51: {  	[tilespmem:v10+s16+$0x0] =	vst.idx.msk $0xffff, v52  }
0x52: {  	v52 =	vld [tilespmem:s6+$0x40];
	_ =	sdelay $0x4  }
0x53: {  	v52 =	vand.u32 $0xF, v52  }
0x54: {  	v52 =	vor.u32 v11, v52;
	_ =	sdelay $0x4  }
0x55: {  	v52 =	vld.idx.msk [tilespmem:v52+s14+$0x0], $0xffff;
	_ =	sdelay $0x4  }
0x56: {  	[tilespmem:v12+s16+$0x0] =	vst.idx.msk $0xffff, v52  }
0x57: {  	v52 =	vld [tilespmem:s6+$0x50];
	_ =	sdelay $0x4  }
0x58: {  	v52 =	vand.u32 $0xF, v52  }
0x59: {  	v52 =	vor.u32 v13, v52;
	_ =	sdelay $0x4  }
0x5a: {  	v52 =	vld.idx.msk [tilespmem:v52+s14+$0x0], $0xffff;
	_ =	sdelay $0x4  }
0x5b: {  	[tilespmem:v14+s16+$0x0] =	vst.idx.msk $0xffff, v52  }
0x5c: {  	v52 =	vld [tilespmem:s6+$0x60];
	_ =	sdelay $0x4  }
0x5d: {  	v52 =	vand.u32 $0xF, v52  }
0x5e: {  	v52 =	vor.u32 v15, v52;
	_ =	sdelay $0x4  }
0x5f: {  	v52 =	vld.idx.msk [tilespmem:v52+s14+$0x0], $0xffff;
	_ =	sdelay $0x4  }
0x60: {  	[tilespmem:v16+s16+$0x0] =	vst.idx.msk $0xffff, v52  }
0x61: {  	v52 =	vld [tilespmem:s6+$0x70];
	_ =	sdelay $0x4  }
0x62: {  	v52 =	vand.u32 $0xF, v52  }
0x63: {  	v52 =	vor.u32 v17, v52;
	_ =	sdelay $0x4  }
0x64: {  	v52 =	vld.idx.msk [tilespmem:v52+s14+$0x0], $0xffff;
	_ =	sdelay $0x4  }
0x65: {  	[tilespmem:v18+s16+$0x0] =	vst.idx.msk $0xffff, v52  }
0x66: {  	v52 =	vld [tilespmem:s6+$0x80];
	_ =	sdelay $0x4  }
0x67: {  	v52 =	vshra.s32 v52, $0x4  }
0x68: {  	[tilespmem:$0x10A00] =	vst v52  }
0x69: {  	v52 =	vld [tilespmem:s6+$0x90];
	_ =	sdelay $0x4  }
0x6a: {  	v52 =	vshra.s32 v52, $0x4  }
0x6b: {  	[tilespmem:$0x10A10] =	vst v52  }
0x6c: {  	v52 =	vld [tilespmem:s6+$0xA0];
	_ =	sdelay $0x4  }
0x6d: {  	v52 =	vshra.s32 v52, $0x4  }
0x6e: {  	[tilespmem:$0x10A20] =	vst v52  }
0x6f: {  	v52 =	vld [tilespmem:s6+$0xB0];
	_ =	sdelay $0x4  }
0x70: {  	v52 =	vshra.s32 v52, $0x4  }
0x71: {  	[tilespmem:$0x10A30] =	vst v52  }
0x72: {  	v52 =	vld [tilespmem:s6+$0xC0];
	_ =	sdelay $0x4  }
0x73: {  	v52 =	vshra.s32 v52, $0x4  }
0x74: {  	[tilespmem:$0x10A40] =	vst v52  }
0x75: {  	v52 =	vld [tilespmem:s6+$0xD0];
	_ =	sdelay $0x4  }
0x76: {  	v52 =	vshra.s32 v52, $0x4  }
0x77: {  	[tilespmem:$0x10A50] =	vst v52  }
0x78: {  	v52 =	vld [tilespmem:s6+$0xE0];
	_ =	sdelay $0x4  }
0x79: {  	v52 =	vshra.s32 v52, $0x4  }
0x7a: {  	[tilespmem:$0x10A60] =	vst v52  }
0x7b: {  	v52 =	vld [tilespmem:s6+$0xF0];
	_ =	sdelay $0x4  }
0x7c: {  	v52 =	vshra.s32 v52, $0x4  }
0x7d: {  	[tilespmem:$0x10A70] =	vst v52  }
0x7e: {  	[tilespmem:s14], [sflag:$0x1] =	stream.indirect.gather [hbm4b:s7+s12], $0x10, s13, s12, $0xb8;
	[tilespmem:$0x13300] =	vst v63  }
0x7f: {  	_ =	swait.ge [sflag:s15], $0x800  }
0x80: {  	[sflag:s15] =	ssyncset.done $0x0  }
0x81: {  	[sflag:s15] =	ssyncadd.s32 $0xFFFFF800  }
0x82: {  	v61 =	vld [tilespmem:s6+$0x80];
	_ =	sdelay $0x4  }
0x83: {  	v52 =	vand.u32 $0xF, v61  }
0x84: {  	v52 =	vor.u32 v1, v52;
	_ =	sdelay $0x4  }
0x85: {  	v52 =	vld.idx.msk [tilespmem:v52+s14+$0x0], $0xffff;
	_ =	sdelay $0x4  }
0x86: {  	[tilespmem:v19+s16+$0x0] =	vst.idx.msk $0xffff, v52  }
0x87: {  	v52 =	vld [tilespmem:s6+$0x90];
	_ =	sdelay $0x4  }
0x88: {  	v52 =	vand.u32 $0xF, v52  }
0x89: {  	v52 =	vor.u32 v5, v52;
	_ =	sdelay $0x4  }
0x8a: {  	v52 =	vld.idx.msk [tilespmem:v52+s14+$0x0], $0xffff;
	_ =	sdelay $0x4  }
0x8b: {  	[tilespmem:v20+s16+$0x0] =	vst.idx.msk $0xffff, v52  }
0x8c: {  	v52 =	vld [tilespmem:s6+$0xA0];
	_ =	sdelay $0x4  }
0x8d: {  	v52 =	vand.u32 $0xF, v52  }
0x8e: {  	v52 =	vor.u32 v7, v52;
	_ =	sdelay $0x4  }
0x8f: {  	v52 =	vld.idx.msk [tilespmem:v52+s14+$0x0], $0xffff;
	_ =	sdelay $0x4  }
0x90: {  	[tilespmem:v21+s16+$0x0] =	vst.idx.msk $0xffff, v52  }
0x91: {  	v52 =	vld [tilespmem:s6+$0xB0];
	_ =	sdelay $0x4  }
0x92: {  	v52 =	vand.u32 $0xF, v52  }
0x93: {  	v52 =	vor.u32 v9, v52;
	_ =	sdelay $0x4  }
0x94: {  	v52 =	vld.idx.msk [tilespmem:v52+s14+$0x0], $0xffff;
	_ =	sdelay $0x4  }
0x95: {  	[tilespmem:v22+s16+$0x0] =	vst.idx.msk $0xffff, v52  }
0x96: {  	v52 =	vld [tilespmem:s6+$0xC0];
	_ =	sdelay $0x4  }
0x97: {  	v52 =	vand.u32 $0xF, v52  }
0x98: {  	v52 =	vor.u32 v11, v52;
	_ =	sdelay $0x4  }
0x99: {  	v52 =	vld.idx.msk [tilespmem:v52+s14+$0x0], $0xffff;
	_ =	sdelay $0x4  }
0x9a: {  	[tilespmem:v23+s16+$0x0] =	vst.idx.msk $0xffff, v52  }
0x9b: {  	v52 =	vld [tilespmem:s6+$0xD0];
	_ =	sdelay $0x4  }
0x9c: {  	v52 =	vand.u32 $0xF, v52  }
0x9d: {  	v52 =	vor.u32 v13, v52;
	_ =	sdelay $0x4  }
0x9e: {  	v52 =	vld.idx.msk [tilespmem:v52+s14+$0x0], $0xffff;
	_ =	sdelay $0x4  }
0x9f: {  	[tilespmem:v24+s16+$0x0] =	vst.idx.msk $0xffff, v52  }
0xa0: {  	v52 =	vld [tilespmem:s6+$0xE0];
	_ =	sdelay $0x4  }
0xa1: {  	v52 =	vand.u32 $0xF, v52  }
0xa2: {  	v52 =	vor.u32 v15, v52;
	_ =	sdelay $0x4  }
0xa3: {  	v52 =	vld.idx.msk [tilespmem:v52+s14+$0x0], $0xffff;
	_ =	sdelay $0x4  }
0xa4: {  	[tilespmem:v25+s16+$0x0] =	vst.idx.msk $0xffff, v52  }
0xa5: {  	v52 =	vld [tilespmem:s6+$0xF0];
	_ =	sdelay $0x4  }
0xa6: {  	v52 =	vand.u32 $0xF, v52  }
0xa7: {  	v52 =	vor.u32 v17, v52;
	_ =	sdelay $0x4  }
0xa8: {  	v52 =	vld.idx.msk [tilespmem:v52+s14+$0x0], $0xffff;
	_ =	sdelay $0x4  }
0xa9: {  	[tilespmem:v26+s16+$0x0] =	vst.idx.msk $0xffff, v52  }
0xaa: {  	v52 =	vld [tilespmem:s6+$0x100];
	_ =	sdelay $0x4  }
0xab: {  	v52 =	vshra.s32 v52, $0x4  }
0xac: {  	[tilespmem:$0x10A00] =	vst v52  }
0xad: {  	v52 =	vld [tilespmem:s6+$0x110];
	_ =	sdelay $0x4  }
0xae: {  	v52 =	vshra.s32 v52, $0x4  }
0xaf: {  	[tilespmem:$0x10A10] =	vst v52  }
0xb0: {  	v52 =	vld [tilespmem:s6+$0x120];
	_ =	sdelay $0x4  }
0xb1: {  	v52 =	vshra.s32 v52, $0x4  }
0xb2: {  	[tilespmem:$0x10A20] =	vst v52  }
0xb3: {  	v52 =	vld [tilespmem:s6+$0x130];
	_ =	sdelay $0x4  }
0xb4: {  	v52 =	vshra.s32 v52, $0x4  }
0xb5: {  	[tilespmem:$0x10A30] =	vst v52  }
0xb6: {  	v52 =	vld [tilespmem:s6+$0x140];
	_ =	sdelay $0x4  }
0xb7: {  	v52 =	vshra.s32 v52, $0x4  }
0xb8: {  	[tilespmem:$0x10A40] =	vst v52  }
0xb9: {  	v52 =	vld [tilespmem:s6+$0x150];
	_ =	sdelay $0x4  }
0xba: {  	v52 =	vshra.s32 v52, $0x4  }
0xbb: {  	[tilespmem:$0x10A50] =	vst v52  }
0xbc: {  	v52 =	vld [tilespmem:s6+$0x160];
	_ =	sdelay $0x4  }
0xbd: {  	v52 =	vshra.s32 v52, $0x4  }
0xbe: {  	[tilespmem:$0x10A60] =	vst v52  }
0xbf: {  	v52 =	vld [tilespmem:s6+$0x170];
	_ =	sdelay $0x4  }
0xc0: {  	v52 =	vshra.s32 v52, $0x4  }
0xc1: {  	[tilespmem:$0x10A70] =	vst v52  }
0xc2: {  	[tilespmem:s14], [sflag:$0x1] =	stream.indirect.gather [hbm4b:s7+s12], $0x10, s13, s12, $0xb8;
	[tilespmem:$0x13300] =	vst v63  }
0xc3: {  	_ =	swait.ge [sflag:s15], $0x800  }
0xc4: {  	[sflag:s15] =	ssyncset.done $0x0  }
0xc5: {  	[sflag:s15] =	ssyncadd.s32 $0xFFFFF800  }
0xc6: {  	v62 =	vld [tilespmem:s6+$0x100];
	_ =	sdelay $0x4  }
0xc7: {  	v52 =	vand.u32 $0xF, v62  }
0xc8: {  	v52 =	vor.u32 v1, v52;
	_ =	sdelay $0x4  }
0xc9: {  	v52 =	vld.idx.msk [tilespmem:v52+s14+$0x0], $0xffff;
	_ =	sdelay $0x4  }
0xca: {  	[tilespmem:v27+s16+$0x0] =	vst.idx.msk $0xffff, v52  }
0xcb: {  	v52 =	vld [tilespmem:s6+$0x110];
	_ =	sdelay $0x4  }
0xcc: {  	v52 =	vand.u32 $0xF, v52  }
0xcd: {  	v52 =	vor.u32 v5, v52;
	_ =	sdelay $0x4  }
0xce: {  	v52 =	vld.idx.msk [tilespmem:v52+s14+$0x0], $0xffff;
	_ =	sdelay $0x4  }
0xcf: {  	[tilespmem:v28+s16+$0x0] =	vst.idx.msk $0xffff, v52  }
0xd0: {  	v52 =	vld [tilespmem:s6+$0x120];
	_ =	sdelay $0x4  }
0xd1: {  	v52 =	vand.u32 $0xF, v52  }
0xd2: {  	v52 =	vor.u32 v7, v52;
	_ =	sdelay $0x4  }
0xd3: {  	v52 =	vld.idx.msk [tilespmem:v52+s14+$0x0], $0xffff;
	_ =	sdelay $0x4  }
0xd4: {  	[tilespmem:v29+s16+$0x0] =	vst.idx.msk $0xffff, v52  }
0xd5: {  	v52 =	vld [tilespmem:s6+$0x130];
	_ =	sdelay $0x4  }
0xd6: {  	v52 =	vand.u32 $0xF, v52  }
0xd7: {  	v52 =	vor.u32 v9, v52;
	_ =	sdelay $0x4  }
0xd8: {  	v52 =	vld.idx.msk [tilespmem:v52+s14+$0x0], $0xffff;
	_ =	sdelay $0x4  }
0xd9: {  	[tilespmem:v30+s16+$0x0] =	vst.idx.msk $0xffff, v52  }
0xda: {  	v52 =	vld [tilespmem:s6+$0x140];
	_ =	sdelay $0x4  }
0xdb: {  	v52 =	vand.u32 $0xF, v52  }
0xdc: {  	v52 =	vor.u32 v11, v52;
	_ =	sdelay $0x4  }
0xdd: {  	v52 =	vld.idx.msk [tilespmem:v52+s14+$0x0], $0xffff;
	_ =	sdelay $0x4  }
0xde: {  	[tilespmem:v31+s16+$0x0] =	vst.idx.msk $0xffff, v52  }
0xdf: {  	v52 =	vld [tilespmem:s6+$0x150];
	_ =	sdelay $0x4  }
0xe0: {  	v52 =	vand.u32 $0xF, v52  }
0xe1: {  	v52 =	vor.u32 v13, v52;
	_ =	sdelay $0x4  }
0xe2: {  	v52 =	vld.idx.msk [tilespmem:v52+s14+$0x0], $0xffff;
	_ =	sdelay $0x4  }
0xe3: {  	[tilespmem:v32+s16+$0x0] =	vst.idx.msk $0xffff, v52  }
0xe4: {  	v52 =	vld [tilespmem:s6+$0x160];
	_ =	sdelay $0x4  }
0xe5: {  	v52 =	vand.u32 $0xF, v52  }
0xe6: {  	v52 =	vor.u32 v15, v52;
	_ =	sdelay $0x4  }
0xe7: {  	v52 =	vld.idx.msk [tilespmem:v52+s14+$0x0], $0xffff;
	_ =	sdelay $0x4  }
0xe8: {  	[tilespmem:v33+s16+$0x0] =	vst.idx.msk $0xffff, v52  }
0xe9: {  	v52 =	vld [tilespmem:s6+$0x170];
	_ =	sdelay $0x4  }
0xea: {  	v52 =	vand.u32 $0xF, v52  }
0xeb: {  	v52 =	vor.u32 v17, v52;
	_ =	sdelay $0x4  }
0xec: {  	v52 =	vld.idx.msk [tilespmem:v52+s14+$0x0], $0xffff;
	_ =	sdelay $0x4  }
0xed: {  	[tilespmem:v34+s16+$0x0] =	vst.idx.msk $0xffff, v52  }
0xee: {  	v52 =	vld [tilespmem:s6+$0x180];
	_ =	sdelay $0x4  }
0xef: {  	v52 =	vshra.s32 v52, $0x4  }
0xf0: {  	[tilespmem:$0x10A00] =	vst v52  }
0xf1: {  	v52 =	vld [tilespmem:s6+$0x190];
	_ =	sdelay $0x4  }
0xf2: {  	v52 =	vshra.s32 v52, $0x4  }
0xf3: {  	[tilespmem:$0x10A10] =	vst v52  }
0xf4: {  	v52 =	vld [tilespmem:s6+$0x1A0];
	_ =	sdelay $0x4  }
0xf5: {  	v52 =	vshra.s32 v52, $0x4  }
0xf6: {  	[tilespmem:$0x10A20] =	vst v52  }
0xf7: {  	v52 =	vld [tilespmem:s6+$0x1B0];
	_ =	sdelay $0x4  }
0xf8: {  	v52 =	vshra.s32 v52, $0x4  }
0xf9: {  	[tilespmem:$0x10A30] =	vst v52  }
0xfa: {  	v52 =	vld [tilespmem:s6+$0x1C0];
	_ =	sdelay $0x4  }
0xfb: {  	v52 =	vshra.s32 v52, $0x4  }
0xfc: {  	[tilespmem:$0x10A40] =	vst v52  }
0xfd: {  	v52 =	vld [tilespmem:s6+$0x1D0];
	_ =	sdelay $0x4  }
0xfe: {  	v52 =	vshra.s32 v52, $0x4  }
0xff: {  	[tilespmem:$0x10A50] =	vst v52  }
0x100: {  	v52 =	vld [tilespmem:s6+$0x1E0];
	_ =	sdelay $0x4  }
0x101: {  	v52 =	vshra.s32 v52, $0x4  }
0x102: {  	[tilespmem:$0x10A60] =	vst v52  }
0x103: {  	v52 =	vld [tilespmem:s6+$0x1F0];
	_ =	sdelay $0x4  }
0x104: {  	v52 =	vshra.s32 v52, $0x4  }
0x105: {  	[tilespmem:$0x10A70] =	vst v52  }
0x106: {  	[tilespmem:s14], [sflag:$0x1] =	stream.indirect.gather [hbm4b:s7+s12], $0x10, s13, s12, $0xb8;
	[tilespmem:$0x13300] =	vst v63  }
0x107: {  	_ =	swait.ge [sflag:s15], $0x800  }
0x108: {  	[sflag:s15] =	ssyncset.done $0x0  }
0x109: {  	[sflag:s15] =	ssyncadd.s32 $0xFFFFF800  }
0x10a: {  	v63 =	vld [tilespmem:s6+$0x180];
	_ =	sdelay $0x4  }
0x10b: {  	v52 =	vand.u32 $0xF, v63  }
0x10c: {  	v52 =	vor.u32 v1, v52;
	_ =	sdelay $0x4  }
0x10d: {  	v52 =	vld.idx.msk [tilespmem:v52+s14+$0x0], $0xffff;
	_ =	sdelay $0x4  }
0x10e: {  	[tilespmem:v35+s16+$0x0] =	vst.idx.msk $0xffff, v52  }
0x10f: {  	v52 =	vld [tilespmem:s6+$0x190];
	_ =	sdelay $0x4  }
0x110: {  	v52 =	vand.u32 $0xF, v52  }
0x111: {  	v52 =	vor.u32 v5, v52;
	_ =	sdelay $0x4  }
0x112: {  	v52 =	vld.idx.msk [tilespmem:v52+s14+$0x0], $0xffff;
	_ =	sdelay $0x4  }
0x113: {  	[tilespmem:v36+s16+$0x0] =	vst.idx.msk $0xffff, v52  }
0x114: {  	v52 =	vld [tilespmem:s6+$0x1A0];
	_ =	sdelay $0x4  }
0x115: {  	v52 =	vand.u32 $0xF, v52  }
0x116: {  	v52 =	vor.u32 v7, v52;
	_ =	sdelay $0x4  }
0x117: {  	v52 =	vld.idx.msk [tilespmem:v52+s14+$0x0], $0xffff;
	_ =	sdelay $0x4  }
0x118: {  	[tilespmem:v37+s16+$0x0] =	vst.idx.msk $0xffff, v52  }
0x119: {  	v52 =	vld [tilespmem:s6+$0x1B0];
	_ =	sdelay $0x4  }
0x11a: {  	v52 =	vand.u32 $0xF, v52  }
0x11b: {  	v52 =	vor.u32 v9, v52;
	_ =	sdelay $0x4  }
0x11c: {  	v52 =	vld.idx.msk [tilespmem:v52+s14+$0x0], $0xffff;
	_ =	sdelay $0x4  }
0x11d: {  	[tilespmem:v38+s16+$0x0] =	vst.idx.msk $0xffff, v52  }
0x11e: {  	v52 =	vld [tilespmem:s6+$0x1C0];
	_ =	sdelay $0x4  }
0x11f: {  	v52 =	vand.u32 $0xF, v52  }
0x120: {  	v52 =	vor.u32 v11, v52;
	_ =	sdelay $0x4  }
0x121: {  	v52 =	vld.idx.msk [tilespmem:v52+s14+$0x0], $0xffff;
	_ =	sdelay $0x4  }
0x122: {  	[tilespmem:v39+s16+$0x0] =	vst.idx.msk $0xffff, v52  }
0x123: {  	v52 =	vld [tilespmem:s6+$0x1D0];
	_ =	sdelay $0x4  }
0x124: {  	v52 =	vand.u32 $0xF, v52  }
0x125: {  	v52 =	vor.u32 v13, v52;
	_ =	sdelay $0x4  }
0x126: {  	v52 =	vld.idx.msk [tilespmem:v52+s14+$0x0], $0xffff;
	_ =	sdelay $0x4  }
0x127: {  	[tilespmem:v40+s16+$0x0] =	vst.idx.msk $0xffff, v52  }
0x128: {  	v52 =	vld [tilespmem:s6+$0x1E0];
	_ =	sdelay $0x4  }
0x129: {  	v52 =	vand.u32 $0xF, v52  }
0x12a: {  	v52 =	vor.u32 v15, v52;
	_ =	sdelay $0x4  }
0x12b: {  	v52 =	vld.idx.msk [tilespmem:v52+s14+$0x0], $0xffff;
	_ =	sdelay $0x4  }
0x12c: {  	[tilespmem:v41+s16+$0x0] =	vst.idx.msk $0xffff, v52  }
0x12d: {  	v52 =	vld [tilespmem:s6+$0x1F0];
	_ =	sdelay $0x4  }
0x12e: {  	v52 =	vand.u32 $0xF, v52  }
0x12f: {  	v52 =	vor.u32 v17, v52;
	_ =	sdelay $0x4  }
0x130: {  	v52 =	vld.idx.msk [tilespmem:v52+s14+$0x0], $0xffff;
	_ =	sdelay $0x4  }
0x131: {  	[tilespmem:v42+s16+$0x0] =	vst.idx.msk $0xffff, v52  }
0x132: {  	[hbm4b:s8+s4] =	stream.linear.scatter [tilespmem:s16], [sflag:$0x2], $0x1000, $0x38;
	[tilespmem:$0x13300] =	vst v63  }
0x133: {  	_ =	swait.ge [sflag:s11], $0x1000  }
0x134: {  	[sflag:s11] =	ssyncset.done $0x0  }
0x135: {  	s22 =	simm.s32 $0x0;
	[sflag:s11] =	ssyncadd.s32 $0xFFFFF000  }
.LBB2_2:
0x136: {  	p0 =	sne.s32 s22, $0x1EFC0  }
.Ltmp2:
0x137: {  	_ = 	snop;
	(pc) =	sbr.rel @p0 .LBB2_2-.Ltmp2, $3  }
0x138: {  	_ =	sdelay $0x1  }
0x139: {  	s23 =	sshra.s32 s22, $0x2  }
0x13a: {  	s22 =	sadd.s32 $0x40, s22;
	[tilespmem:s23+$0x4000] =	vst v43  }
0x13b: {  	s22 =	simm.s32 $0x0  }
0x13c: {  	v52 =	vld [tilespmem:s22+$0x0]  }
0x13d: {  	s24 =	simm.s32 $0x10000;
	s25 =	simm.s32 $0x20000;
	s26 =	simm.s32 $0x0  }
.LBB2_4:
0x13e: {  	p0 =	sne.s32 s25, $0x4000000;
	_ =	sdelay $0x2  }
0x13f: {  	vm1 =	vge.s32 v52, v3;
	vm2 =	vlt.s32 v52, v4  }
0x140: {  	v52 =	vsub.s32 v52, v3;
	vm1 =	vmand vm1, vm2  }
0x141: {  	v52 =	vnsel vm1, $0x0, v52;
	_ =	sdelay $0x3  }
.Ltmp3:
0x142: {  	v53 =	vmov s24;
	s23 =	simm.s32 $0x4000;
	s24 =	smov.u32 s25;
	(pc) =	sbr.rel @p0 .LBB2_4-.Ltmp3, $4  }
0x143: {  	[tilespmem:v52+s23+$0x0] =	vst.idx.msk vm1, v53  }
0x144: {  	s26 =	sadd.s32 $0x10, s26;
	[tilespmem:v52+s23+$0x0] =	vst.idx.add.s32.msk vm1, v44  }
0x145: {  	v52 =	vld [tilespmem:s26+$0x0]  }
0x146: {  	s25 =	sadd.s32 $0x10000, s25  }
0x147: {  	_ =	sdelay $0x2  }
0x148: {  	vm1 =	vge.s32 v52, v3;
	vm2 =	vlt.s32 v52, v4  }
0x149: {  	v63 =	vsub.s32 v52, v3;
	vm1 =	vmand vm1, vm2  }
0x14a: {  	v52 =	vnsel vm1, $0x0, v63;
	_ =	sdelay $0x1  }
.Ltmp4:
0x14b: {  	_ = 	snop;
	(pc) =	sbr.rel .LBB2_6-.Ltmp4, $4  }
0x14c: {  	_ = 	snop  }
0x14d: {  	v53 =	vmov s24  }
0x14e: {  	[tilespmem:v52+s23+$0x0] =	vst.idx.msk vm1, v53  }
0x14f: {  	s24 =	smov.u32 s10;
	[tilespmem:v52+s23+$0x0] =	vst.idx.add.s32.msk vm1, v44  }
.LBB2_12:
0x150: {  	s22 =	sadd.s32 $0x1, s22  }
0x151: {  	p0 =	sne.s32 s22, $0x4  }
.Ltmp5:
0x152: {  	_ = 	snop;
	(pc) =	sbr.rel @!p0 .LBB2_13-.Ltmp5, $2  }
0x153: {  	_ =	sdelay $0x2  }
0x154: {  	s23 =	sadd.s32 $0x1F00, s23;
	s24 =	sadd.s32 $0x1F00, s24  }
.LBB2_6:
0x155: {  	v52 =	vmov s23;
	_ =	sdelay $0x3  }
0x156: {  	s25 =	simm.s32 $0x0  }
0x157: {  	v53 =	vld.idx.msk [tilespmem:v52+s25+$0x0 ss:$0x1], $0xffff;
	_ =	sdelay $0x4  }
0x158: {  	vm1 =	vgt.s32 v53, $0x0  }
0x159: {  	v54 =	vsel vm1, $0x1, v43  }
0x15a: {  	(xrf0) =	vadd.scan.msk.s32 $0xffff, v54;
	_ =	sdelay $0x1  }
0x15b: {  	s26 =	simm.s32 $0x0  }
0x15c: {  	v55 =	vmov s26  }
0x15d: {  	v55 =	vadd.s32 $0xFFFFFFFF, v55  }
0x15e: {  	v55 =	vbroadcast v55, $0x0;
	v56 =	vand.u32 $0xFFFF, v53  }
0x15f: {  	v56 =	vcvt.s32.f32 v56;
	v54, _, _ =	vpop (xrf0)  }
0x160: {  	v53 =	vshra.s32 v53, $0xC;
	(v2sf) =	vpush v54, $0xF;
	v54 =	vadd.s32 v54, v55  }
0x161: {  	v53 =	vand.u32 $0xFFFFFFF0, v53;
	v60 =	vshrl.u32 v56, $0x17;
	v54 =	vnsel vm1, $0x0, v54  }
0x162: {  	v53 =	vadd.s32 v53, v60  }
0x163: {  	vm2 =	vgt.s32 v53, $0x8F  }
0x164: {  	v53 =	vnsel vm2, $0x8F, v53  }
0x165: {  	v61 =	vadd.s32 s24, v0;
	v53 =	vmin.u32 v53, $0x408E  }
0x166: {  	v53 =	vadd.s32 $0xFFFFFF71, v53;
	[tilespmem:v54+s17+$0x0] =	vst.idx.msk vm1, v61  }
0x167: {  	s30 =	simm.s32 $0x10;
	[tilespmem:v54+s18+$0x0] =	vst.idx.msk vm1, v53  }
0x168: {  	v53 =	vld.idx.msk [tilespmem:v52+s30+$0x0 ss:$0x1], $0xffff;
	_ =	sdelay $0x4  }
0x169: {  	vm1 =	vgt.s32 v53, $0x0  }
0x16a: {  	v63 =	vsel vm1, $0x1, v43  }
0x16b: {  	(xrf0) =	vadd.scan.msk.s32 $0xffff, v63  }
0x16c: {  	s31 =	spop (v2sf)  }
0x16d: {  	s25 =	sadd.s32 $0x0, s31  }
0x16e: {  	v62 =	vmov s25  }
0x16f: {  	v54 =	vadd.s32 $0xFFFFFFFF, v62  }
0x170: {  	s29 =	simm.s32 $0xC0;
	s28 =	smov.u32 s24;
	s26 =	simm.s32 $0x80;
	v55 =	vand.u32 $0xFFFF, v53;
	v54 =	vbroadcast v54, $0x0  }
.LBB2_7:
0x171: {  	p0 =	sne.s32 s29, $0x7BC0;
	v55 =	vcvt.s32.f32 v55;
	v56, _, _ =	vpop (xrf0)  }
0x172: {  	v53 =	vshra.s32 v53, $0xC;
	v54 =	vadd.s32 v56, v54;
	(v2sf) =	vpush v56, $0xF  }
0x173: {  	v53 =	vand.u32 $0xFFFFFFF0, v53;
	v54 =	vnsel vm1, $0x0, v54;
	v55 =	vshrl.u32 v55, $0x17  }
0x174: {  	v53 =	vadd.s32 v53, v55  }
0x175: {  	vm2 =	vgt.s32 v53, $0x8F  }
0x176: {  	s28 =	sadd.s32 $0x10, s28;
	v53 =	vnsel vm2, $0x8F, v53  }
0x177: {  	v55 =	vadd.s32 s28, v0;
	v53 =	vmin.u32 v53, $0x408E  }
0x178: {  	v53 =	vadd.s32 $0xFFFFFF71, v53;
	[tilespmem:v54+s17+$0x0] =	vst.idx.msk vm1, v55  }
0x179: {  	s30 =	sshra.s32 s26, $0x2;
	s26 =	smov.u32 s29;
	[tilespmem:v54+s18+$0x0] =	vst.idx.msk vm1, v53  }
0x17a: {  	v53 =	vld.idx.msk [tilespmem:v52+s30+$0x0 ss:$0x1], $0xffff;
	_ =	sdelay $0x5  }
0x17b: {  	vm1 =	vgt.s32 v53, $0x0  }
0x17c: {  	v54 =	vsel vm1, $0x1, v43;
	s30 =	spop (v2sf)  }
0x17d: {  	(xrf0) =	vadd.scan.msk.s32 $0xffff, v54;
	s25 =	sadd.s32 s25, s30  }
.Ltmp6:
0x17e: {  	(pc) =	sbr.rel @p0 .LBB2_7-.Ltmp6, $4  }
0x17f: {  	_ = 	snop  }
0x180: {  	v54 =	vmov s25  }
0x181: {  	v54 =	vadd.s32 $0xFFFFFFFF, v54  }
0x182: {  	s29 =	sadd.s32 $0x40, s29;
	v55 =	vand.u32 $0xFFFF, v53;
	v54 =	vbroadcast v54, $0x0  }
0x183: {  	v55 =	vcvt.s32.f32 v55;
	v56, _, _ =	vpop (xrf0)  }
0x184: {  	v53 =	vshra.s32 v53, $0xC;
	v54 =	vadd.s32 v56, v54  }
0x185: {  	v53 =	vand.u32 $0xFFFFFFF0, v53;
	v54 =	vnsel vm1, $0x0, v54;
	v55 =	vshrl.u32 v55, $0x17  }
0x186: {  	v53 =	vadd.s32 v53, v55  }
0x187: {  	vm2 =	vgt.s32 v53, $0x8F  }
0x188: {  	s28 =	sadd.s32 $0x10, s28;
	v53 =	vnsel vm2, $0x8F, v53  }
0x189: {  	v58 =	vadd.s32 s28, v0;
	v53 =	vmin.u32 v53, $0x408E  }
0x18a: {  	v53 =	vadd.s32 $0xFFFFFF71, v53;
	[tilespmem:v54+s17+$0x0] =	vst.idx.msk vm1, v58  }
0x18b: {  	s26 =	sshra.s32 s26, $0x2;
	[tilespmem:v54+s18+$0x0] =	vst.idx.msk vm1, v53  }
0x18c: {  	v52 =	vld.idx.msk [tilespmem:v52+s26+$0x0 ss:$0x1], $0xffff;
	_ =	sdelay $0x3  }
0x18d: {  	(v2sf) =	vpush v56, $0xF  }
0x18e: {  	vm1 =	vgt.s32 v52, $0x0  }
0x18f: {  	v59 =	vsel vm1, $0x1, v43  }
0x190: {  	(xrf0) =	vadd.scan.msk.s32 $0xffff, v59;
	_ =	sdelay $0x5  }
0x191: {  	v53, _, _ =	vpop (xrf0)  }
0x192: {  	(v2sf) =	vpush v53, $0xF;
	_ =	sdelay $0x4  }
0x193: {  	s31 =	spop (v2sf)  }
0x194: {  	s25 =	sadd.s32 s25, s31  }
0x195: {  	v60 =	vmov s25  }
0x196: {  	v54 =	vadd.s32 $0xFFFFFFFF, v60  }
0x197: {  	v61 =	vand.u32 $0xFFFF, v52;
	v54 =	vbroadcast v54, $0x0  }
0x198: {  	v55 =	vcvt.s32.f32 v61  }
0x199: {  	v52 =	vshra.s32 v52, $0xC;
	v53 =	vadd.s32 v53, v54  }
0x19a: {  	v52 =	vand.u32 $0xFFFFFFF0, v52;
	v62 =	vshrl.u32 v55, $0x17;
	v53 =	vnsel vm1, $0x0, v53  }
0x19b: {  	v52 =	vadd.s32 v52, v62  }
.Ltmp7:
0x19c: {  	vm2 =	vgt.s32 v52, $0x8F;
	(pc) =	sbr.rel .LBB2_9-.Ltmp7, $4  }
0x19d: {  	s28 =	sadd.s32 $0x10, s28;
	v52 =	vnsel vm2, $0x8F, v52;
	s31 =	spop (v2sf)  }
0x19e: {  	v63 =	vadd.s32 s28, v0;
	v52 =	vmin.u32 v52, $0x408E;
	s25 =	sadd.s32 s25, s31  }
0x19f: {  	s29 =	simm.s32 $0xDB40;
	v52 =	vadd.s32 $0xFFFFFF71, v52;
	[tilespmem:v53+s17+$0x0] =	vst.idx.msk vm1, v63;
	s26 =	sadd.s32 $0x7F, s25  }
0x1a0: {  	s30 =	simm.s32 $0xBC40;
	s28 =	simm.s32 $0x0;
	[tilespmem:v53+s18+$0x0] =	vst.idx.msk vm1, v52;
	s26 =	sshra.s32 s26, $0x7  }
.LBB2_11:
0x1a1: {  	s28 =	sadd.s32 $0x1, s28  }
0x1a2: {  	p0 =	sne.s32 s28, $0x3E  }
.Ltmp8:
0x1a3: {  	_ = 	snop;
	(pc) =	sbr.rel @!p0 .LBB2_12-.Ltmp8, $2  }
0x1a4: {  	_ =	sdelay $0x2  }
0x1a5: {  	s25 =	sadd.s32 $0xFFFFFF80, s25;
	s29 =	sadd.s32 $0x80, s29;
	s30 =	sadd.s32 $0x80, s30  }
.LBB2_9:
0x1a6: {  	p0 =	sge.s32 s28, s26  }
.Ltmp9:
0x1a7: {  	_ = 	snop;
	(pc) =	sbr.rel @p0 .LBB2_11-.Ltmp9, $1  }
0x1a8: {  	_ =	sdelay $0x3  }
0x1a9: {  	v52 =	vld [tilespmem:s30+$0xFFFFFFC0]  }
0x1aa: {  	v53 =	vld [tilespmem:s29+$0xFFFFFFC0];
	_ =	sdelay $0x3  }
0x1ab: {  	v54 =	vnsel vm0, $0x0, v52  }
0x1ac: {  	v61 =	vnsel vm0, $0x0, v53;
	(xrf0) =	vadd.scan.msk.s32 $0xffff, v54  }
0x1ad: {  	(xrf0) =	vadd.scan.msk.s32 $0xffff, v61;
	_ =	sdelay $0x3  }
0x1ae: {  	p0 =	slt.s32 s25, $0x80;
	s31 =	smov.u32 s25  }
0x1af: {  	s31 =	simm.s32 @!p0 $0x80;
	v62, _, _ =	vpop (xrf0)  }
0x1b0: {  	v56 =	vmov s31;
	v54 =	vbroadcast v62, $0xF;
	v55, _, _ =	vpop (xrf0)  }
0x1b1: {  	vm1 =	vgt.s32 v56, v0;
	v55 =	vbroadcast v55, $0xF  }
0x1b2: {  	v52 =	vsel vm1, v52, v54  }
0x1b3: {  	[tilespmem:$0x10A00] =	vst v52;
	v63 =	vsel vm1, v53, v55  }
0x1b4: {  	[tilespmem:$0x10A80] =	vst v63  }
0x1b5: {  	v52 =	vld [tilespmem:s30+$0xFFFFFFD0]  }
0x1b6: {  	v57 =	vld [tilespmem:s29+$0xFFFFFFD0];
	_ =	sdelay $0x2  }
0x1b7: {  	vm1 =	vgt.s32 v56, v45  }
0x1b8: {  	v52 =	vsel vm1, v52, v54  }
0x1b9: {  	v58 =	vsel vm1, v57, v55;
	[tilespmem:$0x10A10] =	vst v52  }
0x1ba: {  	[tilespmem:$0x10A90] =	vst v58  }
0x1bb: {  	v52 =	vld [tilespmem:s30+$0xFFFFFFE0]  }
0x1bc: {  	v59 =	vld [tilespmem:s29+$0xFFFFFFE0];
	_ =	sdelay $0x2  }
0x1bd: {  	vm1 =	vgt.s32 v56, v46  }
0x1be: {  	v52 =	vsel vm1, v52, v54  }
0x1bf: {  	v60 =	vsel vm1, v59, v55;
	[tilespmem:$0x10A20] =	vst v52  }
0x1c0: {  	[tilespmem:$0x10AA0] =	vst v60  }
0x1c1: {  	v52 =	vld [tilespmem:s30+$0xFFFFFFF0]  }
0x1c2: {  	v61 =	vld [tilespmem:s29+$0xFFFFFFF0];
	_ =	sdelay $0x2  }
0x1c3: {  	vm1 =	vgt.s32 v56, v47  }
0x1c4: {  	v52 =	vsel vm1, v52, v54  }
0x1c5: {  	v62 =	vsel vm1, v61, v55;
	[tilespmem:$0x10A30] =	vst v52  }
0x1c6: {  	[tilespmem:$0x10AB0] =	vst v62  }
0x1c7: {  	v52 =	vld [tilespmem:s30+$0x0]  }
0x1c8: {  	v63 =	vld [tilespmem:s29+$0x0];
	_ =	sdelay $0x2  }
0x1c9: {  	vm1 =	vgt.s32 v56, v48  }
0x1ca: {  	v52 =	vsel vm1, v52, v54  }
0x1cb: {  	v57 =	vsel vm1, v63, v55;
	[tilespmem:$0x10A40] =	vst v52  }
0x1cc: {  	[tilespmem:$0x10AC0] =	vst v57  }
0x1cd: {  	v52 =	vld [tilespmem:s30+$0x10]  }
0x1ce: {  	v58 =	vld [tilespmem:s29+$0x10];
	_ =	sdelay $0x2  }
0x1cf: {  	vm1 =	vgt.s32 v56, v49  }
0x1d0: {  	v52 =	vsel vm1, v52, v54  }
0x1d1: {  	v59 =	vsel vm1, v58, v55;
	[tilespmem:$0x10A50] =	vst v52  }
0x1d2: {  	[tilespmem:$0x10AD0] =	vst v59  }
0x1d3: {  	v52 =	vld [tilespmem:s30+$0x20]  }
0x1d4: {  	v60 =	vld [tilespmem:s29+$0x20];
	_ =	sdelay $0x2  }
0x1d5: {  	vm1 =	vgt.s32 v56, v50  }
0x1d6: {  	v52 =	vsel vm1, v52, v54  }
0x1d7: {  	v61 =	vsel vm1, v60, v55;
	[tilespmem:$0x10A60] =	vst v52  }
0x1d8: {  	[tilespmem:$0x10AE0] =	vst v61  }
0x1d9: {  	v52 =	vld [tilespmem:s30+$0x30]  }
0x1da: {  	v62 =	vld [tilespmem:s29+$0x30];
	_ =	sdelay $0x2  }
0x1db: {  	vm1 =	vgt.s32 v56, v51  }
0x1dc: {  	v52 =	vsel vm1, v52, v54  }
0x1dd: {  	v63 =	vsel vm1, v62, v55;
	[tilespmem:$0x10A70] =	vst v52  }
0x1de: {  	[tilespmem:$0x10AF0] =	vst v63  }
0x1df: {  	[tilespmem:s19], [sflag:$0x1] =	stream.indirect.gather [hbm4b:s5+s12], $0x40, s13, s12, $0xb8;
	[tilespmem:$0x13300] =	vst v63  }
0x1e0: {  	_ =	swait.ge [sflag:s15], $0x2000  }
0x1e1: {  	[sflag:s15] =	ssyncset.done $0x0  }
.Ltmp10:
0x1e2: {  	[sflag:s15] =	ssyncadd.s32 $0xFFFFE000;
	(pc) =	sbr.rel .LBB2_11-.Ltmp10, $4  }
0x1e3: {  	[hbm4b:s3+s12] =	stream.indirect.scatter [tilespmem:s19], [sflag:$0x1], $0x40, s20, s12, $0xb8;
	[tilespmem:$0x13300] =	vst v63  }
0x1e4: {  	_ =	swait.ge [sflag:s15], $0x2000  }
0x1e5: {  	[sflag:s15] =	ssyncset.done $0x0  }
0x1e6: {  	[sflag:s15] =	ssyncadd.s32 $0xFFFFE000  }
.LBB2_14:
0x1e7: {  	_ =	sfence.sel $0x180000  }
0x1e8: {  	[bflag:$0x0] =	sbarrier.arrive $0xFFFF  }
0x1e9: {  	p0 =	sne.s32 s0, $0x0;
	_ =	strace $0x90000047  }
0x1ea: {  	s0 =	sadd.s32 @!p0 $0x100000, s2;
	[bflag:$0x2] =	sbarrier.arrive $0xFFFF  }
0x1eb: {  	[sflag:s0] =	ssyncadd.tile.s32 @!p0 $0x1;
	_ =	shalt  }
.Lfunc_end2:
_tile_overlayer_lowered:
.L_overlay_start_2:
0x1ec: {  	(tag) =	ssettag $0x2  }
0x1ed: {  	s0 =	rddreg [dreg:$0x0];
	s2 =	stileid.u32  }
0x1ee: {  	s1 =	rddreg [dreg:$0x1];
	p0 =	sne.s32 s2, $0x0  }
0x1ef: {  	s3 =	rddreg [dreg:$0x2];
	[bflag:$0x3] =	sbarrier.arrive $0xFFFF;
	s2 =	simm.s32 @!p0 $0x1C02  }
0x1f0: {  	[timem:s3], [sflag:s2] =	dma.local @!p0 [hbm:s0], s1  }
0x1f1: {  	s0 =	simm.s32 @!p0 $0x2  }
0x1f2: {  	_ =	swait.ge @!p0 [sflag:s0], s1  }
0x1f3: {  	s1 =	ssub.s32 @!p0 $0x0, s1;
	[sflag:s0] =	ssyncset.done @!p0 $0x0  }
0x1f4: {  	[sflag:s0] =	ssyncadd.s32 @!p0 s1  }
0x1f5: {  	[bflag:$0x3] =	sbarrier.arrive $0xFFFF  }
0x1f6: {  	_ =	shalt  }

// kernel: sparse-core-data-format-call.cloned.1.call-start
scs
called_computation_lowered:
.L_overlay_start_0:
0x0: {  	s2 =	sld [smem:$0x3FD9]  }
0x1: {  	s3 =	sld [smem:$0x3FFE];
	_ =	sdelay $0x1  }
0x2: {  	s1 =	srdreg.scid  }
0x3: {  	s0 =	sand.u32 $0x1, s1  }
0x4: {  	s15 =	sshll.u32 s0, $0xA;
	s2 =	sadd.s32 s3, s2  }
0x5: {  	s2 =	sadd.s32 s2, s15  }
0x6: {  	[smem:$0x3FC0] =	sst s2  }
0x7: {  	_ = 	snop  }
0x8: {  	s2 =	sld [smem:$0x3FD0];
	_ =	sdelay $0x2  }
0x9: {  	s16 =	simm.s32 $0xA;
	s4 =	simm.s32 $0x10  }
0xa: {  	[smem:s4], [sflag:s16] =	dma.local [hbm:s2], $0x1  }
0xb: {  	_ =	swait.eq [sflag:s16], $0x1  }
0xc: {  	[sflag:s16] =	ssyncset.done $0x0  }
0xd: {  	[sflag:s16] =	ssyncadd.s32 $0xFFFFFFFF  }
0xe: {  	s17 =	sld [smem:$0x11];
	(tm) =	ssettm $0x1  }
0xf: {  	s18 =	sld [smem:$0x3FFB];
	_ =	sdelay $0x3  }
0x10: {  	_ =	strace s18  }
0x11: {  	s3 =	sld [smem:$0x3FFC];
	_ =	sdelay $0x3  }
0x12: {  	_ =	strace s3  }
0x13: {  	s3 =	sld [smem:$0x3FFD];
	_ =	sdelay $0x3  }
0x14: {  	_ =	strace s3  }
0x15: {  	_ =	strace $0x8FFFFFFF  }
0x16: {  	s19 =	sld [smem:$0x3FDB];
	_ =	sdelay $0x1  }
0x17: {  	s20 =	simm.s32 $_scs_section_size  }
0x18: {  	s5 =	simm.s32 $_size__tile_overlayer_lowered;
	s6 =	simm.s32 $_tile_overlayer_lowered  }
0x19: {  	s23 =	simm.s32 $0x1BFF;
	s22 =	sshll.u32 s6, $0x1;
	s3 =	sadd.s32 s20, s19  }
0x1a: {  	s7 =	simm.s32 $0x0;
	s21 =	sshll.u32 s5, $0x1;
	s5 =	sadd.s32 s22, s3  }
0x1b: {  	[timem:s7], [sflag:s23] =	dma.local [hbm:s5], s21  }
0x1c: {  	_ =	swait.ge [sflag:s23], s21  }
0x1d: {  	s4 =	ssub.s32 $0x0, s21;
	[sflag:s23] =	ssyncset.done $0x0  }
0x1e: {  	[sflag:s23] =	ssyncadd.s32 s4;
	_ =	sdelay $0x1  }
0x1f: {  	s24 =	simm.s32 $0x1B8B  }
0x20: {  	_ =	swait.ge [sflag:s24], $0x1  }
0x21: {  	[sflag:s24] =	ssyncset.done $0x0  }
0x22: {  	s26 =	simm.s32 $0x1B8E;
	s25 =	sld [smem:$0x3FFE];
	[sflag:s24] =	ssyncadd.s32 $0xFFFFFFFF  }
0x23: {  	s27 =	simm.s32 $execute0_lowered;
	[smem:$0x3FD2] =	sst s26  }
0x24: {  	s5 =	sshll.u32 s27, $0x1;
	_ =	strace $0x80000049;
	[dreg:$0x1] =	wrdreg $0xFFFFFFFF  }
0x25: {  	s28 =	simm.s32 $_size_execute0_lowered;
	s3 =	sadd.s32 s3, s5;
	[dreg:$0x0] =	wrdreg $0x0  }
0x26: {  	s5 =	sshll.u32 s28, $0x1;
	[dreg:$0x2] =	wrdreg s3  }
0x27: {  	[dreg:$0x3] =	wrdreg s5  }
0x28: {  	[dreg:$0x4] =	wrdreg $0xC0  }
0x29: {  	_ =	task [dreg:s7], $0x5FFFF  }
0x2a: {  	[dreg:$0x1] =	wrdreg $0xFFFFFFFF  }
0x2b: {  	[dreg:$0x0] =	wrdreg $0x60  }
0x2c: {  	[dreg:$0x2] =	wrdreg s25  }
0x2d: {  	[dreg:$0x3] =	wrdreg s17  }
0x2e: {  	[dreg:$0x4] =	wrdreg $0x9  }
0x2f: {  	_ =	task.clear_ibuf [dreg:s7], $0x5FFFF;
	_ =	strace $0x90000049  }
0x30: {  	s29 =	simm.s32 $0x9;
	_ =	strace $0x8000004B  }
0x31: {  	_ =	swait.ge [sflag:s29], $0x1  }
0x32: {  	[sflag:s29] =	ssyncadd.s32 $0xFFFFFFFF  }
0x33: {  	_ =	strace $0x9000004B  }
0x34: {  	_ =	sfence  }
0x35: {  	s30 =	sld [smem:$0x0];
	_ =	sdelay $0x2  }
0x36: {  	s31 =	sshll.u32 s1, $0xD;
	s1 =	sshrl.u32 s1, $0x2  }
0x37: {  	s3 =	sand.u32 $0x4000, s31;
	s1 =	sadd.s32 s1, s30  }
0x38: {  	s0 =	sor.u32 s3, s0;
	s1 =	sshll.u32 s1, $0x11  }
0x39: {  	s0 =	sor.u32 s1, s0  }
0x3a: {  	s0 =	sadd.s32 $0x8F2B, s0  }
0x3b: {  	[sflag:s0] =	ssyncadd.remote.s32 $0x1  }
0x3c: {  	_ =	sfence.sel $0xFFFF  }
0x3d: {  	[dreg:$0x0] =	wrdreg $0xFFFFFFFF;
	(pc) =	sbr.abs _section_cstart, $3  }
0x3e: {  	[dreg:$0x1] =	wrdreg $0xFFFFFFFF  }
0x3f: {  	_ =	task.clear_ibuf [dreg:s7], $0x2FFFF;
	_ =	strace $0x9FFFFFFF  }
0x40: {  	(tm) =	ssettm $0x7FFFFFFF  }
0x41: {  	_ =	shalt  }
tec
execute0_lowered:
.L_overlay_start_1:
0x0: {  	(tag) =	ssettag $0x1  }
0x1: {  	s4 =	rddreg [dreg:$0x0]  }
0x2: {  	s0 =	srdreg.scid;
	s2 =	rddreg [dreg:$0x1]  }
0x3: {  	s1 =	stileid.u32;
	s5 =	simm.s32 $0x1;
	s0 =	sshll.u32 s0, $0x4  }
0x4: {  	s7 =	simm.s32 $0x2;
	s11 =	simm.s32 $0x0;
	s3 =	sand.u32 $0x10, s0  }
.Ltmp0:
0x5: {  	p0 =	por $0x0, $0x0;
	s3 =	sor.u32 s1, s3;
	(pc) =	sbr.rel .LBB1_1-.Ltmp0, $4  }
0x6: {  	s8 =	simm.s32 $0x7A1400;
	s10 =	simm.s32 $0x0;
	s3 =	sshll.u32 s3, $0x7  }
0x7: {  	s0 =	rddreg [dreg:$0x2];
	_ =	strace $0x8000004A;
	s6 =	ssub.s32 $0xF4200, s3  }
0x8: {  	s4 =	sadd.s32 $0x84000, s4;
	[sflag:s5] =	ssyncpa.u1 $0x0;
	s6 =	sshrl.u32 s6, $0xC  }
0x9: {  	[sflag:s7] =	ssyncpa.u1 $0x0;
	s9 =	smov.u32 s3;
	s7 =	sadd.s32 $0x2, s6  }
.LBB1_5:
0xa: {  	s13 =	sadd.s32 $0x1000, s9  }
0xb: {  	p2 =	sgt.s32 s13, $0xF423F  }
0xc: {  	s13 =	smov.u32 @p2 s3;
	p2 =	sne.s32 s10, s7  }
.Ltmp1:
0xd: {  	p1 =	slt.u32 s10, $0x2;
	(pc) =	sbr.rel @!p2 .LBB1_6-.Ltmp1, $4  }
0xe: {  	s12 =	simm.s32 @!p1 $0x2  }
0xf: {  	s14 =	sadd.s32 $0x1, s10;
	_ =	swait.ge @!p1 [sflag:s12], $0x2000  }
0x10: {  	s11 =	smov.u32 s9;
	p0 =	por !p0, !p0;
	[sflag:s12] =	ssyncset.done @!p1 $0x0  }
0x11: {  	s10 =	smov.u32 s14;
	s9 =	smov.u32 s13;
	[sflag:s12] =	ssyncadd.s32 @!p1 $0xFFFFE000  }
.LBB1_1:
0x12: {  	p1 =	sgt.u32 s10, s6  }
0x13: {  	s13 =	smov.u32 s9;
	p2 =	sgt.s32 @!p1 s9, $0xF41C0  }
0x14: {  	s12 =	sand.u32 @!p1 $0x1FFFFFF, s9;
	s14 =	sshra.s32 @!p1 s9, $0x1F;
	p2 =	por !p2, p1  }
0x15: {  	s15 =	smulhi.u32 @!p1 $0x218DEF5, s12;
	s14 =	sand.u32 @!p1 s14, s9;
	s13 =	simm.s32 @p2 $0xF41C0  }
0x16: {  	s13 =	ssub.s32 @!p1 s13, s14  }
0x17: {  	s14 =	sshrl.u32 @!p1 s15, $0xD;
	s13 =	sadd.s32 @!p1 $0xFFF0BE40, s13  }
0x18: {  	s15 =	sxor.u32 @!p1 $0xFFFFFFFF, s10;
	s14 =	smul.u32 @!p1 $0xF4240, s14;
	s16 =	sshll.u32 @!p1 s13, $0x8  }
0x19: {  	s15 =	sshll.u32 @!p1 s15, $0xD;
	p2 =	sgt.s32 @!p1 s13, $0x7F;
	s13 =	ssub.s32 @!p1 $0x8000, s16  }
0x1a: {  	s12 =	ssub.s32 @!p1 s12, s14;
	p2 =	por !p2, p1;
	s14 =	sand.u32 @!p1 $0x2000, s15  }
0x1b: {  	s15 =	simm.s32 @!p1 $0x40;
	s13 =	sshrl.u32 @!p1 s13, $0x2;
	s12 =	sshll.u32 @!p1 s12, $0x4  }
0x1c: {  	s16 =	simm.s32 @!p1 $0x80;
	s13 =	simm.s32 @!p2 $0x0;
	s12 =	sadd.s32 @!p1 s4, s12  }
0x1d: {  	[tilespmem:s14], [sflag:$0x1] =	stream.strided.gather @!p1 [hbm4b:s12+s15], s13, s16, s15, $0x38;
	[tilespmem:$0x8080] =	vst v63  }
0x1e: {  	p1 =	seq.s32 s10, $0x0  }
0x1f: {  	p2 =	sge.u32 @!p1 s10, s7  }
0x20: {  	p1 =	por p1, p2  }
.Ltmp2:
0x21: {  	_ = 	snop;
	(pc) =	sbr.rel @p1 .LBB1_5-.Ltmp2, $1  }
0x22: {  	_ =	sdelay $0x3  }
0x23: {  	p1 =	sgt.s32 s11, $0xF41C0;
	s12 =	smov.u32 s11;
	s13 =	sshra.s32 s11, $0x1F  }
0x24: {  	s12 =	simm.s32 @!p1 $0xF41C0;
	s13 =	sand.u32 s13, s11  }
0x25: {  	s12 =	ssub.s32 s12, s13  }
0x26: {  	s12 =	sadd.s32 $0xFFF0BE40, s12  }
0x27: {  	s28 =	sshll.u32 s12, $0x8  }
0x28: {  	s13 =	ssub.s32 $0x8000, s28  }
0x29: {  	p1 =	sgt.s32 s12, $0x7F;
	s12 =	sshrl.u32 s13, $0x2  }
0x2a: {  	s13 =	simm.s32 $0x1;
	s12 =	simm.s32 @p1 $0x0  }
0x2b: {  	s13 =	simm.s32 @!p0 $0x0;
	_ =	swait.ge [sflag:s5], s12  }
0x2c: {  	s14 =	sshll.u32 s13, $0xD;
	s12 =	ssub.s32 $0x0, s12;
	[sflag:s5] =	ssyncset.done $0x0  }
0x2d: {  	s16 =	sor.u32 $0x20, s14;
	[sflag:s5] =	ssyncadd.s32 s12  }
0x2e: {  	s29 =	smul.u32 $0x8100, s13;
	v3 =	vld [tilespmem:s16+$0x10]  }
0x2f: {  	s30 =	sand.u32 $0x1, s10;
	v2 =	vld [tilespmem:s16+$0xFFFFFFF0]  }
0x30: {  	s13 =	smul.u32 $0x8100, s30;
	s12 =	sshrl.u32 s29, $0x2;
	v0 =	vld [tilespmem:s16+$0x0]  }
0x31: {  	s14 =	sor.u32 $0x4000, s12;
	v1 =	vld [tilespmem:s16+$0xFFFFFFE0]  }
0x32: {  	s31 =	sshrl.u32 s13, $0x2;
	s13 =	sadd.s32 $0x0, s14  }
0x33: {  	s15 =	simm.s32 $0x4;
	s12 =	sor.u32 $0x4000, s31;
	s16 =	sadd.s32 $0x40, s16;
	[tilespmem:s13+$0x1830 ss:$0x81] =	vst.msk $0xffff, v3  }
.LBB1_3:
0x34: {  	v3 =	vld [tilespmem:s16+$0x10];
	p1 =	sne.s32 s15, $0x1FC;
	[tilespmem:s13+$0x810 ss:$0x81] =	vst.msk $0xffff, v2;
	s17 =	smov.u32 s15;
	s15 =	sadd.s32 $0x4, s15  }
.Ltmp3:
0x35: {  	v2 =	vld [tilespmem:s16+$0xFFFFFFF0];
	[tilespmem:s13+$0x1020 ss:$0x81] =	vst.msk $0xffff, v0;
	(pc) =	sbr.rel @p1 .LBB1_3-.Ltmp3, $4  }
0x36: {  	v0 =	vld [tilespmem:s16+$0x0];
	[tilespmem:s13+$0x0 ss:$0x81] =	vst.msk $0xffff, v1  }
0x37: {  	s13 =	sshra.s32 s17, $0x2;
	v1 =	vld [tilespmem:s16+$0xFFFFFFE0]  }
0x38: {  	s13 =	sadd.s32 s13, s14  }
0x39: {  	s16 =	sadd.s32 $0x40, s16;
	[tilespmem:s13+$0x1830 ss:$0x81] =	vst.msk $0xffff, v3  }
0x3a: {  	s14 =	sshll.u32 s11, $0x3  }
0x3b: {  	s30 =	sand.u32 $0x7F, s11;
	s14 =	sand.u32 $0xFFFFFC00, s14  }
0x3c: {  	s11 =	sor.u32 s30, s14  }
0x3d: {  	s15 =	smulhi.u32 $0x218D6287, s11;
	_ =	sdelay $0x1  }
0x3e: {  	s14 =	smulhi.u32 $0x218D6287, s14;
	s15 =	sshrl.u32 s15, $0x11  }
0x3f: {  	s15 =	smul.u32 $0xF4280, s15  }
0x40: {  	s14 =	sshrl.u32 s14, $0x11  }
.Ltmp4:
0x41: {  	s14 =	sand.u32 $0x3F, s14;
	s11 =	ssub.s32 s11, s15;
	(pc) =	sbr.rel .LBB1_5-.Ltmp4, $4  }
0x42: {  	[tilespmem:s13+$0x810 ss:$0x81] =	vst.msk $0xffff, v2;
	s14 =	smul.u32 $0x1E850, s14;
	s15 =	sshrl.u32 s11, $0x3;
	s11 =	sand.u32 $0x7, s11  }
0x43: {  	[tilespmem:s13+$0x1020 ss:$0x81] =	vst.msk $0xffff, v0;
	s15 =	sadd.s32 s2, s15;
	s11 =	sshll.u32 s11, $0x12  }
0x44: {  	[tilespmem:s13+$0x0 ss:$0x81] =	vst.msk $0xffff, v1;
	s31 =	sadd.s32 s14, s15;
	s11 =	sor.u32 $0x400, s11  }
0x45: {  	[hbm4b:s31+s11] =	stream.strided.scatter [tilespmem:s12], [sflag:$0x2], $0x2000, s8, s11, $0x20;
	[tilespmem:$0x8080] =	vst v63  }
.LBB1_6:
0x46: {  	_ =	sfence.sel $0x180000  }
0x47: {  	s2 =	simm.s32 $0x1;
	[bflag:$0x0] =	sbarrier.arrive $0xFFFF  }
0x48: {  	s31 =	simm.s32 $0x2;
	[sflag:s2] =	ssyncpa.u1 $0x1  }
0x49: {  	[sflag:s31] =	ssyncpa.u1 $0x1  }
0x4a: {  	p0 =	sne.s32 s1, $0x0;
	_ =	strace $0x9000004A  }
0x4b: {  	s0 =	sadd.s32 @!p0 $0x100000, s0;
	[bflag:$0x2] =	sbarrier.arrive $0xFFFF  }
0x4c: {  	[sflag:s0] =	ssyncadd.tile.s32 @!p0 $0x1;
	_ =	shalt  }
.Lfunc_end1:
_tile_overlayer_lowered:
.L_overlay_start_2:
0x4d: {  	(tag) =	ssettag $0x2  }
0x4e: {  	s0 =	rddreg [dreg:$0x0];
	s2 =	stileid.u32  }
0x4f: {  	s1 =	rddreg [dreg:$0x1];
	p0 =	sne.s32 s2, $0x0  }
0x50: {  	s3 =	rddreg [dreg:$0x2];
	[bflag:$0x3] =	sbarrier.arrive $0xFFFF;
	s2 =	simm.s32 @!p0 $0x1C01  }
0x51: {  	[timem:s3], [sflag:s2] =	dma.local @!p0 [hbm:s0], s1  }
0x52: {  	s0 =	simm.s32 @!p0 $0x1  }
0x53: {  	_ =	swait.ge @!p0 [sflag:s0], s1  }
0x54: {  	s1 =	ssub.s32 @!p0 $0x0, s1;
	[sflag:s0] =	ssyncset.done @!p0 $0x0  }
0x55: {  	[sflag:s0] =	ssyncadd.s32 @!p0 s1  }
0x56: {  	[bflag:$0x3] =	sbarrier.arrive $0xFFFF  }
0x57: {  	_ =	shalt  }

</sc_bundles>
